<compile_context>
chip_gen: v7x
topology: tpu7x:2x2x1
jax: 0.10.2.dev20260603
libtpu: 0.0.44.dev20260713+nightly
codegen_flags: <defaults>
</compile_context>

<pallas_src>
import jax
import jax.numpy as jnp
from jax import lax
from jax.experimental import pallas as pl
from jax.experimental.pallas import tpu as pltpu
from jax.experimental.pallas import tpu_sc as plsc

_B = 16
_NC, _NR, _NS = 4096, 2048, 1024
_LAMDA1, _LAMDA2 = 1.0, 2.0
_L = 16
_NW = 32
_UNROLL = 4


def _log1p_newton(u):
    z = 1.0 + u
    w = u
    for _ in range(3):
        w = w - 1.0 + z * jnp.exp(-w)
    return w


def _sl1(d):
    ad = jnp.abs(d)
    return jnp.where(ad < 1.0, 0.5 * d * d, ad - 0.5)


def _sc_body(co_hbm, ro_hbm, so_hbm, ci_hbm, cl_hbm, ri_hbm, rt_hbm, si_hbm,
             st_hbm, out_hbm, cc_v, rc_v, sn_v, ci_v, cl_v, ri_v, rt_v, si_v,
             st_v, part_v, sem):
    cid = lax.axis_index("c")
    sid = lax.axis_index("s")
    wid = sid * 2 + cid
    img = sid
    half = cid

    copies = [
        pltpu.async_copy(co_hbm.at[img], cc_v, sem),
        pltpu.async_copy(ro_hbm.at[img], rc_v, sem),
        pltpu.async_copy(so_hbm.at[img], sn_v, sem),
        pltpu.async_copy(ci_hbm.at[img], ci_v, sem),
        pltpu.async_copy(cl_hbm.at[img], cl_v, sem),
        pltpu.async_copy(ri_hbm.at[img], ri_v, sem),
        pltpu.async_copy(rt_hbm.at[img], rt_v, sem),
        pltpu.async_copy(si_hbm.at[img], si_v, sem),
        pltpu.async_copy(st_hbm.at[img], st_v, sem),
    ]
    for c in copies:
        c.wait()

    lane = lax.iota(jnp.int32, _L)
    zeros = [jnp.zeros((_L,), jnp.float32) for _ in range(_UNROLL)]

    def make_step(idx_v, gather_fn, n_half):
        def step(j, accs):
            out = []
            for k in range(_UNROLL):
                o = n_half * half + j * (_L * _UNROLL) + k * _L
                row = o + lane
                x = plsc.load_gather(idx_v, [row, jnp.zeros((_L,), jnp.int32)])
                y = plsc.load_gather(idx_v, [row, jnp.ones((_L,), jnp.int32)])
                a = plsc.load_gather(idx_v, [row, jnp.full((_L,), 2, jnp.int32)])
                out.append(accs[k] + gather_fn(o, row, x, y, a))
            return tuple(out)
        return step

    def cls_fn(o, row, x, y, a):
        neg = plsc.load_gather(cc_v, [y, x, 2 * a])
        pos = plsc.load_gather(cc_v, [y, x, 2 * a + 1])
        lab = cl_v[pl.ds(o, _L)]
        g = jnp.where(lab == 1, pos - neg, neg - pos)
        u = jnp.exp(-jnp.abs(g))
        return jnp.maximum(-g, 0.0) + _log1p_newton(u)

    accs = lax.fori_loop(0, _NC // 2 // (_L * _UNROLL),
                         make_step(ci_v, cls_fn, _NC // 2), tuple(zeros))
    cls_acc = accs[0] + accs[1] + accs[2] + accs[3]

    def reg_fn(o, row, x, y, a):
        vc = plsc.load_gather(rc_v, [y, x, 2 * a])
        vh = plsc.load_gather(rc_v, [y, x, 2 * a + 1])
        t0 = plsc.load_gather(rt_v, [row, jnp.zeros((_L,), jnp.int32)])
        t1 = plsc.load_gather(rt_v, [row, jnp.ones((_L,), jnp.int32)])
        return _sl1(vc - t0) + _sl1(vh - t1)

    accs = lax.fori_loop(0, _NR // 2 // (_L * _UNROLL),
                         make_step(ri_v, reg_fn, _NR // 2), tuple(zeros))
    reg_acc = accs[0] + accs[1] + accs[2] + accs[3]

    def side_fn(o, row, x, y, a):
        sp = plsc.load_gather(sn_v, [y, x, a])
        return _sl1(sp - st_v[pl.ds(o, _L)])

    accs = lax.fori_loop(0, _NS // 2 // (_L * _UNROLL),
                         make_step(si_v, side_fn, _NS // 2), tuple(zeros))
    side_acc = accs[0] + accs[1] + accs[2] + accs[3]

    part_v[0] = cls_acc
    part_v[1] = reg_acc
    part_v[2] = side_acc
    pltpu.sync_copy(part_v, out_hbm.at[wid])


def _reduce_body(p_ref, tot_ref, cls_ref, reg_ref, side_ref):
    p = p_ref[...]
    cls_l = jnp.sum(p[:, 0, :]) * (1.0 / (_B * _NC))
    reg_l = jnp.sum(p[:, 1, :]) * (1.0 / (_B * 2 * _NR))
    side_l = jnp.sum(p[:, 2, :]) * (1.0 / (_B * _NS))
    tot = cls_l + _LAMDA1 * reg_l + _LAMDA2 * side_l
    tot_ref[...] = jnp.reshape(tot, (1, 1))
    cls_ref[...] = jnp.reshape(cls_l, (1, 1))
    reg_ref[...] = jnp.reshape(reg_l, (1, 1))
    side_ref[...] = jnp.reshape(side_l, (1, 1))


def kernel(cls_outputs, reg_outputs, side_ref_outputs, cls_index, cls_labels,
           reg_index, reg_targets, side_index, side_targets):
    ci = cls_index.astype(jnp.int32)
    ri = reg_index.astype(jnp.int32)
    si = side_index.astype(jnp.int32)
    cl = cls_labels.astype(jnp.int32)
    co_c = cls_outputs[:, :10, :10, :]
    ro_c = reg_outputs[:, :10, :10, :]
    so_c = side_ref_outputs[:, :10, :10, :]

    sc_call = pl.kernel(
        _sc_body,
        out_type=jax.ShapeDtypeStruct((_NW, 3, _L), jnp.float32),
        mesh=plsc.VectorSubcoreMesh(core_axis_name="c", subcore_axis_name="s"),
        compiler_params=pltpu.CompilerParams(needs_layout_passes=False,
                                             use_tc_tiling_on_sc=False),
        scratch_types=[
            pltpu.VMEM((10, 10, 20), jnp.float32),
            pltpu.VMEM((10, 10, 20), jnp.float32),
            pltpu.VMEM((10, 10, 10), jnp.float32),
            pltpu.VMEM((_NC, 3), jnp.int32),
            pltpu.VMEM((_NC,), jnp.int32),
            pltpu.VMEM((_NR, 3), jnp.int32),
            pltpu.VMEM((_NR, 2), jnp.float32),
            pltpu.VMEM((_NS, 3), jnp.int32),
            pltpu.VMEM((_NS,), jnp.float32),
            pltpu.VMEM((3, _L), jnp.float32),
            pltpu.SemaphoreType.DMA,
        ],
    )
    partials = sc_call(co_c, ro_c, so_c, ci, cl, ri,
                       reg_targets, si, side_targets)

    scalar = jax.ShapeDtypeStruct((1, 1), jnp.float32)
    outs = pl.pallas_call(
        _reduce_body,
        in_specs=[pl.BlockSpec((_NW, 3, _L), lambda: (0, 0, 0))],
        out_specs=[pl.BlockSpec((1, 1), lambda: (0, 0))] * 4,
        out_shape=[scalar] * 4,
    )(partials)

    tot, cls_l, reg_l, side_l = outs
    return (tot[0, 0], cls_l[0, 0], reg_l[0, 0], side_l[0, 0])

# --- scband reference (transcript-rebuilt; emitter-appended) ---
"""Pipeline reference for scband-loss-func-6322191860256 (READ-ONLY COPY).

The authoritative reference and input builder live on the scoring server;
editing this copy changes nothing except your own understanding.
"""

import jax, jax.numpy as jnp
import numpy as np

LAMDA1 = 1.0
LAMDA2 = 2.0
TRAIN_SIDE_REF = True


def _smooth_l1(pred, target):
    d = pred - target
    ad = jnp.abs(d)
    return jnp.mean(jnp.where(ad < 1.0, 0.5 * d * d, ad - 0.5))


def _cross_entropy(logits, labels):
    logp = jax.nn.log_softmax(logits, axis=-1)
    return -jnp.mean(jnp.take_along_axis(logp, labels[:, None], axis=1))


def setup_inputs(seed: int = 0) -> dict:
    key = jax.random.key(seed)
    ks = jax.random.split(key, 9)
    return {
        "cls_outputs": jax.random.normal(ks[0], (16, 96, 160, 20), dtype=jnp.float32),
        "reg_outputs": jax.random.normal(ks[1], (16, 96, 160, 20), dtype=jnp.float32),
        "side_ref_outputs": jax.random.normal(ks[2], (16, 96, 160, 10), dtype=jnp.float32),
        "cls_index": jax.random.randint(ks[3], (16, 4096, 3), 0, 10, dtype=jnp.int64) if jax.config.jax_enable_x64 else jax.random.randint(ks[3], (16, 4096, 3), 0, 10).astype(jnp.int32),
        "cls_labels": jax.random.randint(ks[4], (16, 4096), 0, 2).astype(jnp.int32),
        "reg_index": jax.random.randint(ks[5], (16, 2048, 3), 0, 10).astype(jnp.int32),
        "reg_targets": jax.random.normal(ks[6], (16, 2048, 2), dtype=jnp.float32),
        "side_index": jax.random.randint(ks[7], (16, 1024, 3), 0, 10).astype(jnp.int32),
        "side_targets": jax.random.uniform(ks[8], (16, 1024), dtype=jnp.float32),
    }


def reference(cls_outputs, reg_outputs, side_ref_outputs, cls_index, cls_labels, reg_index, reg_targets, side_index, side_targets):
    def per_image(co, ro, so, ci, cl, ri, rt, si, st):
        # cls: gather neg/pos logits per sampled anchor (index cols: 0=x, 1=y, 2=anchor)
        neg = co[ci[:, 1], ci[:, 0], ci[:, 2] * 2]
        pos = co[ci[:, 1], ci[:, 0], ci[:, 2] * 2 + 1]
        logits = jnp.stack([neg, pos], axis=1)
        cls_loss = _cross_entropy(logits, cl)
        # reg: vertical center / height deltas
        vc = ro[ri[:, 1], ri[:, 0], ri[:, 2] * 2]
        vh = ro[ri[:, 1], ri[:, 0], ri[:, 2] * 2 + 1]
        reg_pred = jnp.concatenate([vc, vh], axis=0)
        reg_tgt = jnp.concatenate([rt[:, 0], rt[:, 1]], axis=0)
        reg_loss = _smooth_l1(reg_pred, reg_tgt)
        # side refinement
        sp = so[si[:, 1], si[:, 0], si[:, 2]]
        side_loss = _smooth_l1(sp, st)
        if TRAIN_SIDE_REF:
            total = cls_loss + LAMDA1 * reg_loss + LAMDA2 * side_loss
        else:
            total = cls_loss + LAMDA1 * reg_loss
        return total, cls_loss, reg_loss, side_loss

    totals, clss, regs, sides = jax.vmap(per_image)(
        cls_outputs, reg_outputs, side_ref_outputs,
        cls_index, cls_labels, reg_index, reg_targets, side_index, side_targets)
    return (jnp.mean(totals), jnp.mean(clss), jnp.mean(regs), jnp.mean(sides))

if __name__ == "__main__":
    import jax
    _d = setup_inputs()
    print(jax.jit(kernel)(*tuple(_d.values())))

</pallas_src>

<mosaic_0001>
#map = affine_map<(d0, d1) -> (0, 0, 0, 0)>
#map1 = affine_map<(d0, d1) -> (0, 0, 0)>
#map2 = affine_map<(d0, d1) -> (0, 0)>
module attributes {stable_mosaic.version = 14 : i64} {
  func.func @_sc_body(%arg0: i32, %arg1: i32, %arg2: memref<16x10x10x20xf32, #tpu.memory_space<hbm>>, %arg3: memref<16x10x10x20xf32, #tpu.memory_space<hbm>>, %arg4: memref<16x10x10x10xf32, #tpu.memory_space<hbm>>, %arg5: memref<16x4096x3xi32, #tpu.memory_space<hbm>>, %arg6: memref<16x4096xi32, #tpu.memory_space<hbm>>, %arg7: memref<16x2048x3xi32, #tpu.memory_space<hbm>>, %arg8: memref<16x2048x2xf32, #tpu.memory_space<hbm>>, %arg9: memref<16x1024x3xi32, #tpu.memory_space<hbm>>, %arg10: memref<16x1024xf32, #tpu.memory_space<hbm>>, %arg11: memref<32x3x16xf32, #tpu.memory_space<hbm>>, %arg12: memref<10x10x20xf32, #tpu.memory_space<vmem>>, %arg13: memref<10x10x20xf32, #tpu.memory_space<vmem>>, %arg14: memref<10x10x10xf32, #tpu.memory_space<vmem>>, %arg15: memref<4096x3xi32, #tpu.memory_space<vmem>>, %arg16: memref<4096xi32, #tpu.memory_space<vmem>>, %arg17: memref<2048x3xi32, #tpu.memory_space<vmem>>, %arg18: memref<2048x2xf32, #tpu.memory_space<vmem>>, %arg19: memref<1024x3xi32, #tpu.memory_space<vmem>>, %arg20: memref<1024xf32, #tpu.memory_space<vmem>>, %arg21: memref<3x16xf32, #tpu.memory_space<vmem>>, %arg22: memref<!tpu.dma_semaphore, #tpu.memory_space<semaphore_mem>>) attributes {dimension_semantics = [#tpu.dimension_semantics<core_parallel>, #tpu.dimension_semantics<subcore_parallel>], iteration_bounds = array<i64: 2, 16>, scalar_prefetch = 0 : i64, scratch_operands = 11 : i64, tpu.core_type = #tpu.core_type<sc_vector_subcore>, window_params = [{transform_indices = #map}, {transform_indices = #map}, {transform_indices = #map}, {transform_indices = #map1}, {transform_indices = #map2}, {transform_indices = #map1}, {transform_indices = #map1}, {transform_indices = #map1}, {transform_indices = #map2}, {transform_indices = #map1}]} {
    %mul3A = arith.constant 2 : i32
    %mul3A_0 = arith.muli %arg1, %mul3A : i32
    %add3A = arith.addi %mul3A_0, %arg0 : i32
    %dma_start3A = arith.constant 0 : i32
    %dma_start3A_1 = arith.constant 0 : i32
    %dma_start3A_2 = arith.constant 0 : i32
    %dma_start3A_3 = tpu.memref_slice %arg2[%arg1, %dma_start3A, %dma_start3A_1, %dma_start3A_2] : memref<16x10x10x20xf32, #tpu.memory_space<hbm>> -> memref<1x10x10x20xf32, #tpu.memory_space<hbm>>
    %dma_start3A_4 = tpu.memref_squeeze %dma_start3A_3 : memref<1x10x10x20xf32, #tpu.memory_space<hbm>> -> memref<10x10x20xf32, #tpu.memory_space<hbm>>
    %dma_start3A_5 = arith.constant 0 : i32
    %dma_start3A_6 = arith.constant 0 : i32
    %dma_start3A_7 = arith.constant 0 : i32
    %dma_start3A_8 = tpu.memref_slice %arg2[%arg1, %dma_start3A_5, %dma_start3A_6, %dma_start3A_7] : memref<16x10x10x20xf32, #tpu.memory_space<hbm>> -> memref<1x10x10x20xf32, #tpu.memory_space<hbm>>
    %dma_start3A_9 = tpu.memref_squeeze %dma_start3A_8 : memref<1x10x10x20xf32, #tpu.memory_space<hbm>> -> memref<10x10x20xf32, #tpu.memory_space<hbm>>
    tpu.enqueue_dma source(%dma_start3A_9 : memref<10x10x20xf32, #tpu.memory_space<hbm>>) target(%arg12 : memref<10x10x20xf32, #tpu.memory_space<vmem>>) target_semaphore(%arg22 : memref<!tpu.dma_semaphore, #tpu.memory_space<semaphore_mem>>)
    %dma_start3A_10 = arith.constant 0 : i32
    %dma_start3A_11 = arith.constant 0 : i32
    %dma_start3A_12 = arith.constant 0 : i32
    %dma_start3A_13 = tpu.memref_slice %arg3[%arg1, %dma_start3A_10, %dma_start3A_11, %dma_start3A_12] : memref<16x10x10x20xf32, #tpu.memory_space<hbm>> -> memref<1x10x10x20xf32, #tpu.memory_space<hbm>>
    %dma_start3A_14 = tpu.memref_squeeze %dma_start3A_13 : memref<1x10x10x20xf32, #tpu.memory_space<hbm>> -> memref<10x10x20xf32, #tpu.memory_space<hbm>>
    %dma_start3A_15 = arith.constant 0 : i32
    %dma_start3A_16 = arith.constant 0 : i32
    %dma_start3A_17 = arith.constant 0 : i32
    %dma_start3A_18 = tpu.memref_slice %arg3[%arg1, %dma_start3A_15, %dma_start3A_16, %dma_start3A_17] : memref<16x10x10x20xf32, #tpu.memory_space<hbm>> -> memref<1x10x10x20xf32, #tpu.memory_space<hbm>>
    %dma_start3A_19 = tpu.memref_squeeze %dma_start3A_18 : memref<1x10x10x20xf32, #tpu.memory_space<hbm>> -> memref<10x10x20xf32, #tpu.memory_space<hbm>>
    tpu.enqueue_dma source(%dma_start3A_19 : memref<10x10x20xf32, #tpu.memory_space<hbm>>) target(%arg13 : memref<10x10x20xf32, #tpu.memory_space<vmem>>) target_semaphore(%arg22 : memref<!tpu.dma_semaphore, #tpu.memory_space<semaphore_mem>>)
    %dma_start3A_20 = arith.constant 0 : i32
    %dma_start3A_21 = arith.constant 0 : i32
    %dma_start3A_22 = arith.constant 0 : i32
    %dma_start3A_23 = tpu.memref_slice %arg4[%arg1, %dma_start3A_20, %dma_start3A_21, %dma_start3A_22] : memref<16x10x10x10xf32, #tpu.memory_space<hbm>> -> memref<1x10x10x10xf32, #tpu.memory_space<hbm>>
    %dma_start3A_24 = tpu.memref_squeeze %dma_start3A_23 : memref<1x10x10x10xf32, #tpu.memory_space<hbm>> -> memref<10x10x10xf32, #tpu.memory_space<hbm>>
    %dma_start3A_25 = arith.constant 0 : i32
    %dma_start3A_26 = arith.constant 0 : i32
    %dma_start3A_27 = arith.constant 0 : i32
    %dma_start3A_28 = tpu.memref_slice %arg4[%arg1, %dma_start3A_25, %dma_start3A_26, %dma_start3A_27] : memref<16x10x10x10xf32, #tpu.memory_space<hbm>> -> memref<1x10x10x10xf32, #tpu.memory_space<hbm>>
    %dma_start3A_29 = tpu.memref_squeeze %dma_start3A_28 : memref<1x10x10x10xf32, #tpu.memory_space<hbm>> -> memref<10x10x10xf32, #tpu.memory_space<hbm>>
    tpu.enqueue_dma source(%dma_start3A_29 : memref<10x10x10xf32, #tpu.memory_space<hbm>>) target(%arg14 : memref<10x10x10xf32, #tpu.memory_space<vmem>>) target_semaphore(%arg22 : memref<!tpu.dma_semaphore, #tpu.memory_space<semaphore_mem>>)
    %dma_start3A_30 = arith.constant 0 : i32
    %dma_start3A_31 = arith.constant 0 : i32
    %dma_start3A_32 = tpu.memref_slice %arg5[%arg1, %dma_start3A_30, %dma_start3A_31] : memref<16x4096x3xi32, #tpu.memory_space<hbm>> -> memref<1x4096x3xi32, #tpu.memory_space<hbm>>
    %dma_start3A_33 = tpu.memref_squeeze %dma_start3A_32 : memref<1x4096x3xi32, #tpu.memory_space<hbm>> -> memref<4096x3xi32, #tpu.memory_space<hbm>>
    %dma_start3A_34 = arith.constant 0 : i32
    %dma_start3A_35 = arith.constant 0 : i32
    %dma_start3A_36 = tpu.memref_slice %arg5[%arg1, %dma_start3A_34, %dma_start3A_35] : memref<16x4096x3xi32, #tpu.memory_space<hbm>> -> memref<1x4096x3xi32, #tpu.memory_space<hbm>>
    %dma_start3A_37 = tpu.memref_squeeze %dma_start3A_36 : memref<1x4096x3xi32, #tpu.memory_space<hbm>> -> memref<4096x3xi32, #tpu.memory_space<hbm>>
    tpu.enqueue_dma source(%dma_start3A_37 : memref<4096x3xi32, #tpu.memory_space<hbm>>) target(%arg15 : memref<4096x3xi32, #tpu.memory_space<vmem>>) target_semaphore(%arg22 : memref<!tpu.dma_semaphore, #tpu.memory_space<semaphore_mem>>)
    %dma_start3A_38 = arith.constant 0 : i32
    %dma_start3A_39 = tpu.memref_slice %arg6[%arg1, %dma_start3A_38] : memref<16x4096xi32, #tpu.memory_space<hbm>> -> memref<1x4096xi32, #tpu.memory_space<hbm>>
    %dma_start3A_40 = tpu.memref_squeeze %dma_start3A_39 : memref<1x4096xi32, #tpu.memory_space<hbm>> -> memref<4096xi32, #tpu.memory_space<hbm>>
    %dma_start3A_41 = arith.constant 0 : i32
    %dma_start3A_42 = tpu.memref_slice %arg6[%arg1, %dma_start3A_41] : memref<16x4096xi32, #tpu.memory_space<hbm>> -> memref<1x4096xi32, #tpu.memory_space<hbm>>
    %dma_start3A_43 = tpu.memref_squeeze %dma_start3A_42 : memref<1x4096xi32, #tpu.memory_space<hbm>> -> memref<4096xi32, #tpu.memory_space<hbm>>
    tpu.enqueue_dma source(%dma_start3A_43 : memref<4096xi32, #tpu.memory_space<hbm>>) target(%arg16 : memref<4096xi32, #tpu.memory_space<vmem>>) target_semaphore(%arg22 : memref<!tpu.dma_semaphore, #tpu.memory_space<semaphore_mem>>)
    %dma_start3A_44 = arith.constant 0 : i32
    %dma_start3A_45 = arith.constant 0 : i32
    %dma_start3A_46 = tpu.memref_slice %arg7[%arg1, %dma_start3A_44, %dma_start3A_45] : memref<16x2048x3xi32, #tpu.memory_space<hbm>> -> memref<1x2048x3xi32, #tpu.memory_space<hbm>>
    %dma_start3A_47 = tpu.memref_squeeze %dma_start3A_46 : memref<1x2048x3xi32, #tpu.memory_space<hbm>> -> memref<2048x3xi32, #tpu.memory_space<hbm>>
    %dma_start3A_48 = arith.constant 0 : i32
    %dma_start3A_49 = arith.constant 0 : i32
    %dma_start3A_50 = tpu.memref_slice %arg7[%arg1, %dma_start3A_48, %dma_start3A_49] : memref<16x2048x3xi32, #tpu.memory_space<hbm>> -> memref<1x2048x3xi32, #tpu.memory_space<hbm>>
    %dma_start3A_51 = tpu.memref_squeeze %dma_start3A_50 : memref<1x2048x3xi32, #tpu.memory_space<hbm>> -> memref<2048x3xi32, #tpu.memory_space<hbm>>
    tpu.enqueue_dma source(%dma_start3A_51 : memref<2048x3xi32, #tpu.memory_space<hbm>>) target(%arg17 : memref<2048x3xi32, #tpu.memory_space<vmem>>) target_semaphore(%arg22 : memref<!tpu.dma_semaphore, #tpu.memory_space<semaphore_mem>>)
    %dma_start3A_52 = arith.constant 0 : i32
    %dma_start3A_53 = arith.constant 0 : i32
    %dma_start3A_54 = tpu.memref_slice %arg8[%arg1, %dma_start3A_52, %dma_start3A_53] : memref<16x2048x2xf32, #tpu.memory_space<hbm>> -> memref<1x2048x2xf32, #tpu.memory_space<hbm>>
    %dma_start3A_55 = tpu.memref_squeeze %dma_start3A_54 : memref<1x2048x2xf32, #tpu.memory_space<hbm>> -> memref<2048x2xf32, #tpu.memory_space<hbm>>
    %dma_start3A_56 = arith.constant 0 : i32
    %dma_start3A_57 = arith.constant 0 : i32
    %dma_start3A_58 = tpu.memref_slice %arg8[%arg1, %dma_start3A_56, %dma_start3A_57] : memref<16x2048x2xf32, #tpu.memory_space<hbm>> -> memref<1x2048x2xf32, #tpu.memory_space<hbm>>
    %dma_start3A_59 = tpu.memref_squeeze %dma_start3A_58 : memref<1x2048x2xf32, #tpu.memory_space<hbm>> -> memref<2048x2xf32, #tpu.memory_space<hbm>>
    tpu.enqueue_dma source(%dma_start3A_59 : memref<2048x2xf32, #tpu.memory_space<hbm>>) target(%arg18 : memref<2048x2xf32, #tpu.memory_space<vmem>>) target_semaphore(%arg22 : memref<!tpu.dma_semaphore, #tpu.memory_space<semaphore_mem>>)
    %dma_start3A_60 = arith.constant 0 : i32
    %dma_start3A_61 = arith.constant 0 : i32
    %dma_start3A_62 = tpu.memref_slice %arg9[%arg1, %dma_start3A_60, %dma_start3A_61] : memref<16x1024x3xi32, #tpu.memory_space<hbm>> -> memref<1x1024x3xi32, #tpu.memory_space<hbm>>
    %dma_start3A_63 = tpu.memref_squeeze %dma_start3A_62 : memref<1x1024x3xi32, #tpu.memory_space<hbm>> -> memref<1024x3xi32, #tpu.memory_space<hbm>>
    %dma_start3A_64 = arith.constant 0 : i32
    %dma_start3A_65 = arith.constant 0 : i32
    %dma_start3A_66 = tpu.memref_slice %arg9[%arg1, %dma_start3A_64, %dma_start3A_65] : memref<16x1024x3xi32, #tpu.memory_space<hbm>> -> memref<1x1024x3xi32, #tpu.memory_space<hbm>>
    %dma_start3A_67 = tpu.memref_squeeze %dma_start3A_66 : memref<1x1024x3xi32, #tpu.memory_space<hbm>> -> memref<1024x3xi32, #tpu.memory_space<hbm>>
    tpu.enqueue_dma source(%dma_start3A_67 : memref<1024x3xi32, #tpu.memory_space<hbm>>) target(%arg19 : memref<1024x3xi32, #tpu.memory_space<vmem>>) target_semaphore(%arg22 : memref<!tpu.dma_semaphore, #tpu.memory_space<semaphore_mem>>)
    %dma_start3A_68 = arith.constant 0 : i32
    %dma_start3A_69 = tpu.memref_slice %arg10[%arg1, %dma_start3A_68] : memref<16x1024xf32, #tpu.memory_space<hbm>> -> memref<1x1024xf32, #tpu.memory_space<hbm>>
    %dma_start3A_70 = tpu.memref_squeeze %dma_start3A_69 : memref<1x1024xf32, #tpu.memory_space<hbm>> -> memref<1024xf32, #tpu.memory_space<hbm>>
    %dma_start3A_71 = arith.constant 0 : i32
    %dma_start3A_72 = tpu.memref_slice %arg10[%arg1, %dma_start3A_71] : memref<16x1024xf32, #tpu.memory_space<hbm>> -> memref<1x1024xf32, #tpu.memory_space<hbm>>
    %dma_start3A_73 = tpu.memref_squeeze %dma_start3A_72 : memref<1x1024xf32, #tpu.memory_space<hbm>> -> memref<1024xf32, #tpu.memory_space<hbm>>
    tpu.enqueue_dma source(%dma_start3A_73 : memref<1024xf32, #tpu.memory_space<hbm>>) target(%arg20 : memref<1024xf32, #tpu.memory_space<vmem>>) target_semaphore(%arg22 : memref<!tpu.dma_semaphore, #tpu.memory_space<semaphore_mem>>)
    %dma_wait3A = arith.constant 0 : i32
    %dma_wait3A_74 = arith.constant 0 : i32
    %dma_wait3A_75 = arith.constant 0 : i32
    %dma_wait3A_76 = tpu.memref_slice %arg2[%arg1, %dma_wait3A, %dma_wait3A_74, %dma_wait3A_75] : memref<16x10x10x20xf32, #tpu.memory_space<hbm>> -> memref<1x10x10x20xf32, #tpu.memory_space<hbm>>
    %dma_wait3A_77 = tpu.memref_squeeze %dma_wait3A_76 : memref<1x10x10x20xf32, #tpu.memory_space<hbm>> -> memref<10x10x20xf32, #tpu.memory_space<hbm>>
    %dma_wait3A_78 = arith.constant 0 : i32
    %dma_wait3A_79 = arith.constant 0 : i32
    %dma_wait3A_80 = arith.constant 0 : i32
    %dma_wait3A_81 = tpu.memref_slice %arg2[%arg1, %dma_wait3A_78, %dma_wait3A_79, %dma_wait3A_80] : memref<16x10x10x20xf32, #tpu.memory_space<hbm>> -> memref<1x10x10x20xf32, #tpu.memory_space<hbm>>
    %dma_wait3A_82 = tpu.memref_squeeze %dma_wait3A_81 : memref<1x10x10x20xf32, #tpu.memory_space<hbm>> -> memref<10x10x20xf32, #tpu.memory_space<hbm>>
    tpu.wait_dma2 semaphore(%arg22 : memref<!tpu.dma_semaphore, #tpu.memory_space<semaphore_mem>>) src(%dma_wait3A_82 : memref<10x10x20xf32, #tpu.memory_space<hbm>>) dst(%arg12 : memref<10x10x20xf32, #tpu.memory_space<vmem>>)
    %dma_wait3A_83 = arith.constant 0 : i32
    %dma_wait3A_84 = arith.constant 0 : i32
    %dma_wait3A_85 = arith.constant 0 : i32
    %dma_wait3A_86 = tpu.memref_slice %arg3[%arg1, %dma_wait3A_83, %dma_wait3A_84, %dma_wait3A_85] : memref<16x10x10x20xf32, #tpu.memory_space<hbm>> -> memref<1x10x10x20xf32, #tpu.memory_space<hbm>>
    %dma_wait3A_87 = tpu.memref_squeeze %dma_wait3A_86 : memref<1x10x10x20xf32, #tpu.memory_space<hbm>> -> memref<10x10x20xf32, #tpu.memory_space<hbm>>
    %dma_wait3A_88 = arith.constant 0 : i32
    %dma_wait3A_89 = arith.constant 0 : i32
    %dma_wait3A_90 = arith.constant 0 : i32
    %dma_wait3A_91 = tpu.memref_slice %arg3[%arg1, %dma_wait3A_88, %dma_wait3A_89, %dma_wait3A_90] : memref<16x10x10x20xf32, #tpu.memory_space<hbm>> -> memref<1x10x10x20xf32, #tpu.memory_space<hbm>>
    %dma_wait3A_92 = tpu.memref_squeeze %dma_wait3A_91 : memref<1x10x10x20xf32, #tpu.memory_space<hbm>> -> memref<10x10x20xf32, #tpu.memory_space<hbm>>
    tpu.wait_dma2 semaphore(%arg22 : memref<!tpu.dma_semaphore, #tpu.memory_space<semaphore_mem>>) src(%dma_wait3A_92 : memref<10x10x20xf32, #tpu.memory_space<hbm>>) dst(%arg13 : memref<10x10x20xf32, #tpu.memory_space<vmem>>)
    %dma_wait3A_93 = arith.constant 0 : i32
    %dma_wait3A_94 = arith.constant 0 : i32
    %dma_wait3A_95 = arith.constant 0 : i32
    %dma_wait3A_96 = tpu.memref_slice %arg4[%arg1, %dma_wait3A_93, %dma_wait3A_94, %dma_wait3A_95] : memref<16x10x10x10xf32, #tpu.memory_space<hbm>> -> memref<1x10x10x10xf32, #tpu.memory_space<hbm>>
    %dma_wait3A_97 = tpu.memref_squeeze %dma_wait3A_96 : memref<1x10x10x10xf32, #tpu.memory_space<hbm>> -> memref<10x10x10xf32, #tpu.memory_space<hbm>>
    %dma_wait3A_98 = arith.constant 0 : i32
    %dma_wait3A_99 = arith.constant 0 : i32
    %dma_wait3A_100 = arith.constant 0 : i32
    %dma_wait3A_101 = tpu.memref_slice %arg4[%arg1, %dma_wait3A_98, %dma_wait3A_99, %dma_wait3A_100] : memref<16x10x10x10xf32, #tpu.memory_space<hbm>> -> memref<1x10x10x10xf32, #tpu.memory_space<hbm>>
    %dma_wait3A_102 = tpu.memref_squeeze %dma_wait3A_101 : memref<1x10x10x10xf32, #tpu.memory_space<hbm>> -> memref<10x10x10xf32, #tpu.memory_space<hbm>>
    tpu.wait_dma2 semaphore(%arg22 : memref<!tpu.dma_semaphore, #tpu.memory_space<semaphore_mem>>) src(%dma_wait3A_102 : memref<10x10x10xf32, #tpu.memory_space<hbm>>) dst(%arg14 : memref<10x10x10xf32, #tpu.memory_space<vmem>>)
    %dma_wait3A_103 = arith.constant 0 : i32
    %dma_wait3A_104 = arith.constant 0 : i32
    %dma_wait3A_105 = tpu.memref_slice %arg5[%arg1, %dma_wait3A_103, %dma_wait3A_104] : memref<16x4096x3xi32, #tpu.memory_space<hbm>> -> memref<1x4096x3xi32, #tpu.memory_space<hbm>>
    %dma_wait3A_106 = tpu.memref_squeeze %dma_wait3A_105 : memref<1x4096x3xi32, #tpu.memory_space<hbm>> -> memref<4096x3xi32, #tpu.memory_space<hbm>>
    %dma_wait3A_107 = arith.constant 0 : i32
    %dma_wait3A_108 = arith.constant 0 : i32
    %dma_wait3A_109 = tpu.memref_slice %arg5[%arg1, %dma_wait3A_107, %dma_wait3A_108] : memref<16x4096x3xi32, #tpu.memory_space<hbm>> -> memref<1x4096x3xi32, #tpu.memory_space<hbm>>
    %dma_wait3A_110 = tpu.memref_squeeze %dma_wait3A_109 : memref<1x4096x3xi32, #tpu.memory_space<hbm>> -> memref<4096x3xi32, #tpu.memory_space<hbm>>
    tpu.wait_dma2 semaphore(%arg22 : memref<!tpu.dma_semaphore, #tpu.memory_space<semaphore_mem>>) src(%dma_wait3A_110 : memref<4096x3xi32, #tpu.memory_space<hbm>>) dst(%arg15 : memref<4096x3xi32, #tpu.memory_space<vmem>>)
    %dma_wait3A_111 = arith.constant 0 : i32
    %dma_wait3A_112 = tpu.memref_slice %arg6[%arg1, %dma_wait3A_111] : memref<16x4096xi32, #tpu.memory_space<hbm>> -> memref<1x4096xi32, #tpu.memory_space<hbm>>
    %dma_wait3A_113 = tpu.memref_squeeze %dma_wait3A_112 : memref<1x4096xi32, #tpu.memory_space<hbm>> -> memref<4096xi32, #tpu.memory_space<hbm>>
    %dma_wait3A_114 = arith.constant 0 : i32
    %dma_wait3A_115 = tpu.memref_slice %arg6[%arg1, %dma_wait3A_114] : memref<16x4096xi32, #tpu.memory_space<hbm>> -> memref<1x4096xi32, #tpu.memory_space<hbm>>
    %dma_wait3A_116 = tpu.memref_squeeze %dma_wait3A_115 : memref<1x4096xi32, #tpu.memory_space<hbm>> -> memref<4096xi32, #tpu.memory_space<hbm>>
    tpu.wait_dma2 semaphore(%arg22 : memref<!tpu.dma_semaphore, #tpu.memory_space<semaphore_mem>>) src(%dma_wait3A_116 : memref<4096xi32, #tpu.memory_space<hbm>>) dst(%arg16 : memref<4096xi32, #tpu.memory_space<vmem>>)
    %dma_wait3A_117 = arith.constant 0 : i32
    %dma_wait3A_118 = arith.constant 0 : i32
    %dma_wait3A_119 = tpu.memref_slice %arg7[%arg1, %dma_wait3A_117, %dma_wait3A_118] : memref<16x2048x3xi32, #tpu.memory_space<hbm>> -> memref<1x2048x3xi32, #tpu.memory_space<hbm>>
    %dma_wait3A_120 = tpu.memref_squeeze %dma_wait3A_119 : memref<1x2048x3xi32, #tpu.memory_space<hbm>> -> memref<2048x3xi32, #tpu.memory_space<hbm>>
    %dma_wait3A_121 = arith.constant 0 : i32
    %dma_wait3A_122 = arith.constant 0 : i32
    %dma_wait3A_123 = tpu.memref_slice %arg7[%arg1, %dma_wait3A_121, %dma_wait3A_122] : memref<16x2048x3xi32, #tpu.memory_space<hbm>> -> memref<1x2048x3xi32, #tpu.memory_space<hbm>>
    %dma_wait3A_124 = tpu.memref_squeeze %dma_wait3A_123 : memref<1x2048x3xi32, #tpu.memory_space<hbm>> -> memref<2048x3xi32, #tpu.memory_space<hbm>>
    tpu.wait_dma2 semaphore(%arg22 : memref<!tpu.dma_semaphore, #tpu.memory_space<semaphore_mem>>) src(%dma_wait3A_124 : memref<2048x3xi32, #tpu.memory_space<hbm>>) dst(%arg17 : memref<2048x3xi32, #tpu.memory_space<vmem>>)
    %dma_wait3A_125 = arith.constant 0 : i32
    %dma_wait3A_126 = arith.constant 0 : i32
    %dma_wait3A_127 = tpu.memref_slice %arg8[%arg1, %dma_wait3A_125, %dma_wait3A_126] : memref<16x2048x2xf32, #tpu.memory_space<hbm>> -> memref<1x2048x2xf32, #tpu.memory_space<hbm>>
    %dma_wait3A_128 = tpu.memref_squeeze %dma_wait3A_127 : memref<1x2048x2xf32, #tpu.memory_space<hbm>> -> memref<2048x2xf32, #tpu.memory_space<hbm>>
    %dma_wait3A_129 = arith.constant 0 : i32
    %dma_wait3A_130 = arith.constant 0 : i32
    %dma_wait3A_131 = tpu.memref_slice %arg8[%arg1, %dma_wait3A_129, %dma_wait3A_130] : memref<16x2048x2xf32, #tpu.memory_space<hbm>> -> memref<1x2048x2xf32, #tpu.memory_space<hbm>>
    %dma_wait3A_132 = tpu.memref_squeeze %dma_wait3A_131 : memref<1x2048x2xf32, #tpu.memory_space<hbm>> -> memref<2048x2xf32, #tpu.memory_space<hbm>>
    tpu.wait_dma2 semaphore(%arg22 : memref<!tpu.dma_semaphore, #tpu.memory_space<semaphore_mem>>) src(%dma_wait3A_132 : memref<2048x2xf32, #tpu.memory_space<hbm>>) dst(%arg18 : memref<2048x2xf32, #tpu.memory_space<vmem>>)
    %dma_wait3A_133 = arith.constant 0 : i32
    %dma_wait3A_134 = arith.constant 0 : i32
    %dma_wait3A_135 = tpu.memref_slice %arg9[%arg1, %dma_wait3A_133, %dma_wait3A_134] : memref<16x1024x3xi32, #tpu.memory_space<hbm>> -> memref<1x1024x3xi32, #tpu.memory_space<hbm>>
    %dma_wait3A_136 = tpu.memref_squeeze %dma_wait3A_135 : memref<1x1024x3xi32, #tpu.memory_space<hbm>> -> memref<1024x3xi32, #tpu.memory_space<hbm>>
    %dma_wait3A_137 = arith.constant 0 : i32
    %dma_wait3A_138 = arith.constant 0 : i32
    %dma_wait3A_139 = tpu.memref_slice %arg9[%arg1, %dma_wait3A_137, %dma_wait3A_138] : memref<16x1024x3xi32, #tpu.memory_space<hbm>> -> memref<1x1024x3xi32, #tpu.memory_space<hbm>>
    %dma_wait3A_140 = tpu.memref_squeeze %dma_wait3A_139 : memref<1x1024x3xi32, #tpu.memory_space<hbm>> -> memref<1024x3xi32, #tpu.memory_space<hbm>>
    tpu.wait_dma2 semaphore(%arg22 : memref<!tpu.dma_semaphore, #tpu.memory_space<semaphore_mem>>) src(%dma_wait3A_140 : memref<1024x3xi32, #tpu.memory_space<hbm>>) dst(%arg19 : memref<1024x3xi32, #tpu.memory_space<vmem>>)
    %dma_wait3A_141 = arith.constant 0 : i32
    %dma_wait3A_142 = tpu.memref_slice %arg10[%arg1, %dma_wait3A_141] : memref<16x1024xf32, #tpu.memory_space<hbm>> -> memref<1x1024xf32, #tpu.memory_space<hbm>>
    %dma_wait3A_143 = tpu.memref_squeeze %dma_wait3A_142 : memref<1x1024xf32, #tpu.memory_space<hbm>> -> memref<1024xf32, #tpu.memory_space<hbm>>
    %dma_wait3A_144 = arith.constant 0 : i32
    %dma_wait3A_145 = tpu.memref_slice %arg10[%arg1, %dma_wait3A_144] : memref<16x1024xf32, #tpu.memory_space<hbm>> -> memref<1x1024xf32, #tpu.memory_space<hbm>>
    %dma_wait3A_146 = tpu.memref_squeeze %dma_wait3A_145 : memref<1x1024xf32, #tpu.memory_space<hbm>> -> memref<1024xf32, #tpu.memory_space<hbm>>
    tpu.wait_dma2 semaphore(%arg22 : memref<!tpu.dma_semaphore, #tpu.memory_space<semaphore_mem>>) src(%dma_wait3A_146 : memref<1024xf32, #tpu.memory_space<hbm>>) dst(%arg20 : memref<1024xf32, #tpu.memory_space<vmem>>)
    %iota3A = tpu.iota {dimensions = array<i32: 0>} : vector<16xi32>
    %broadcast_in_dim3A = arith.constant 0.000000e+00 : f32
    %broadcast_in_dim3A_147 = vector.broadcast %broadcast_in_dim3A : f32 to vector<16xf32>
    %broadcast_in_dim3A_148 = arith.constant 0.000000e+00 : f32
    %broadcast_in_dim3A_149 = vector.broadcast %broadcast_in_dim3A_148 : f32 to vector<16xf32>
    %broadcast_in_dim3A_150 = arith.constant 0.000000e+00 : f32
    %broadcast_in_dim3A_151 = vector.broadcast %broadcast_in_dim3A_150 : f32 to vector<16xf32>
    %broadcast_in_dim3A_152 = arith.constant 0.000000e+00 : f32
    %broadcast_in_dim3A_153 = vector.broadcast %broadcast_in_dim3A_152 : f32 to vector<16xf32>
    %scan3A = arith.constant 0 : i32
    %scan3A_154 = arith.constant 32 : i32
    %scan3A_155 = arith.addi %scan3A, %scan3A_154 : i32
    %scan3A_156 = arith.constant 1 : i32
    %scan3A_157:4 = scf.for %scan3A_191 = %scan3A to %scan3A_155 step %scan3A_156 iter_args(%scan3A_192 = %broadcast_in_dim3A_147, %scan3A_193 = %broadcast_in_dim3A_149, %scan3A_194 = %broadcast_in_dim3A_151, %scan3A_195 = %broadcast_in_dim3A_153) -> (vector<16xf32>, vector<16xf32>, vector<16xf32>, vector<16xf32>)  : i32 {
      %mul3A_196 = arith.constant 2048 : i32
      %mul3A_197 = arith.muli %mul3A_196, %arg0 : i32
      %mul3A_198 = arith.constant 64 : i32
      %mul3A_199 = arith.muli %scan3A_191, %mul3A_198 : i32
      %add3A_200 = arith.addi %mul3A_197, %mul3A_199 : i32
      %add3A_201 = arith.constant 0 : i32
      %add3A_202 = arith.addi %add3A_200, %add3A_201 : i32
      %add3A_203 = vector.broadcast %add3A_202 : i32 to vector<16xi32>
      %add3A_204 = arith.addi %add3A_203, %iota3A : vector<16xi32>
      %broadcast_in_dim3A_205 = arith.constant 0 : i32
      %broadcast_in_dim3A_206 = vector.broadcast %broadcast_in_dim3A_205 : i32 to vector<16xi32>
      %gather3A = tpu.vector_load_idx %arg15[%add3A_204, %broadcast_in_dim3A_206] : memref<4096x3xi32, #tpu.memory_space<vmem>>[vector<16xi32>, vector<16xi32>], vector<16xi32>,
      %broadcast_in_dim3A_207 = arith.constant 1 : i32
      %broadcast_in_dim3A_208 = vector.broadcast %broadcast_in_dim3A_207 : i32 to vector<16xi32>
      %gather3A_209 = tpu.vector_load_idx %arg15[%add3A_204, %broadcast_in_dim3A_208] : memref<4096x3xi32, #tpu.memory_space<vmem>>[vector<16xi32>, vector<16xi32>], vector<16xi32>,
      %broadcast_in_dim3A_210 = arith.constant 2 : i32
      %broadcast_in_dim3A_211 = vector.broadcast %broadcast_in_dim3A_210 : i32 to vector<16xi32>
      %gather3A_212 = tpu.vector_load_idx %arg15[%add3A_204, %broadcast_in_dim3A_211] : memref<4096x3xi32, #tpu.memory_space<vmem>>[vector<16xi32>, vector<16xi32>], vector<16xi32>,
      %mul3A_213 = arith.constant 2 : i32
      %mul3A_214 = vector.broadcast %mul3A_213 : i32 to vector<16xi32>
      %mul3A_215 = arith.muli %mul3A_214, %gather3A_212 : vector<16xi32>
      %gather3A_216 = tpu.vector_load_idx %arg12[%gather3A_209, %gather3A, %mul3A_215] : memref<10x10x20xf32, #tpu.memory_space<vmem>>[vector<16xi32>, vector<16xi32>, vector<16xi32>], vector<16xf32>,
      %mul3A_217 = arith.constant 2 : i32
      %mul3A_218 = vector.broadcast %mul3A_217 : i32 to vector<16xi32>
      %mul3A_219 = arith.muli %mul3A_218, %gather3A_212 : vector<16xi32>
      %add3A_220 = arith.constant 1 : i32
      %add3A_221 = vector.broadcast %add3A_220 : i32 to vector<16xi32>
      %add3A_222 = arith.addi %mul3A_219, %add3A_221 : vector<16xi32>
      %gather3A_223 = tpu.vector_load_idx %arg12[%gather3A_209, %gather3A, %add3A_222] : memref<10x10x20xf32, #tpu.memory_space<vmem>>[vector<16xi32>, vector<16xi32>, vector<16xi32>], vector<16xf32>,
      %get3A = arith.index_cast %add3A_202 : i32 to index
      %get3A_224 = tpu.vector_load %arg16[%get3A] {strides = array<i32>} : memref<4096xi32, #tpu.memory_space<vmem>>, vector<16xi32>,
      %eq3A = arith.constant 1 : i32
      %eq3A_225 = vector.broadcast %eq3A : i32 to vector<16xi32>
      %eq3A_226 = arith.cmpi eq, %get3A_224, %eq3A_225 : vector<16xi32>
      %sub3A = arith.subf %gather3A_223, %gather3A_216 : vector<16xf32>
      %sub3A_227 = arith.subf %gather3A_216, %gather3A_223 : vector<16xf32>
      %select_n3A = arith.select %eq3A_226, %sub3A, %sub3A_227 : vector<16xi1>, vector<16xf32>
      %abs3A = math.absf %select_n3A : vector<16xf32>
      %neg3A = arith.constant 0.000000e+00 : f32
      %neg3A_228 = vector.broadcast %neg3A : f32 to vector<16xf32>
      %neg3A_229 = arith.subf %neg3A_228, %abs3A : vector<16xf32>
      %exp3A = math.exp %neg3A_229 : vector<16xf32>
      %neg3A_230 = arith.constant 0.000000e+00 : f32
      %neg3A_231 = vector.broadcast %neg3A_230 : f32 to vector<16xf32>
      %neg3A_232 = arith.subf %neg3A_231, %select_n3A : vector<16xf32>
      %max3A = arith.constant 0.000000e+00 : f32
      %max3A_233 = vector.broadcast %max3A : f32 to vector<16xf32>
      %max3A_234 = arith.maximumf %neg3A_232, %max3A_233 : vector<16xf32>
      %add3A_235 = arith.constant 1.000000e+00 : f32
      %add3A_236 = vector.broadcast %add3A_235 : f32 to vector<16xf32>
      %add3A_237 = arith.addf %add3A_236, %exp3A : vector<16xf32>
      %sub3A_238 = arith.constant 1.000000e+00 : f32
      %sub3A_239 = vector.broadcast %sub3A_238 : f32 to vector<16xf32>
      %sub3A_240 = arith.subf %exp3A, %sub3A_239 : vector<16xf32>
      %neg3A_241 = arith.constant 0.000000e+00 : f32
      %neg3A_242 = vector.broadcast %neg3A_241 : f32 to vector<16xf32>
      %neg3A_243 = arith.subf %neg3A_242, %exp3A : vector<16xf32>
      %exp3A_244 = math.exp %neg3A_243 : vector<16xf32>
      %mul3A_245 = arith.mulf %add3A_237, %exp3A_244 : vector<16xf32>
      %add3A_246 = arith.addf %sub3A_240, %mul3A_245 : vector<16xf32>
      %sub3A_247 = arith.constant 1.000000e+00 : f32
      %sub3A_248 = vector.broadcast %sub3A_247 : f32 to vector<16xf32>
      %sub3A_249 = arith.subf %add3A_246, %sub3A_248 : vector<16xf32>
      %neg3A_250 = arith.constant 0.000000e+00 : f32
      %neg3A_251 = vector.broadcast %neg3A_250 : f32 to vector<16xf32>
      %neg3A_252 = arith.subf %neg3A_251, %add3A_246 : vector<16xf32>
      %exp3A_253 = math.exp %neg3A_252 : vector<16xf32>
      %mul3A_254 = arith.mulf %add3A_237, %exp3A_253 : vector<16xf32>
      %add3A_255 = arith.addf %sub3A_249, %mul3A_254 : vector<16xf32>
      %sub3A_256 = arith.constant 1.000000e+00 : f32
      %sub3A_257 = vector.broadcast %sub3A_256 : f32 to vector<16xf32>
      %sub3A_258 = arith.subf %add3A_255, %sub3A_257 : vector<16xf32>
      %neg3A_259 = arith.constant 0.000000e+00 : f32
      %neg3A_260 = vector.broadcast %neg3A_259 : f32 to vector<16xf32>
      %neg3A_261 = arith.subf %neg3A_260, %add3A_255 : vector<16xf32>
      %exp3A_262 = math.exp %neg3A_261 : vector<16xf32>
      %mul3A_263 = arith.mulf %add3A_237, %exp3A_262 : vector<16xf32>
      %add3A_264 = arith.addf %sub3A_258, %mul3A_263 : vector<16xf32>
      %add3A_265 = arith.addf %max3A_234, %add3A_264 : vector<16xf32>
      %add3A_266 = arith.addf %scan3A_192, %add3A_265 : vector<16xf32>
      %mul3A_267 = arith.constant 2048 : i32
      %mul3A_268 = arith.muli %mul3A_267, %arg0 : i32
      %mul3A_269 = arith.constant 64 : i32
      %mul3A_270 = arith.muli %scan3A_191, %mul3A_269 : i32
      %add3A_271 = arith.addi %mul3A_268, %mul3A_270 : i32
      %add3A_272 = arith.constant 16 : i32
      %add3A_273 = arith.addi %add3A_271, %add3A_272 : i32
      %add3A_274 = vector.broadcast %add3A_273 : i32 to vector<16xi32>
      %add3A_275 = arith.addi %add3A_274, %iota3A : vector<16xi32>
      %broadcast_in_dim3A_276 = arith.constant 0 : i32
      %broadcast_in_dim3A_277 = vector.broadcast %broadcast_in_dim3A_276 : i32 to vector<16xi32>
      %gather3A_278 = tpu.vector_load_idx %arg15[%add3A_275, %broadcast_in_dim3A_277] : memref<4096x3xi32, #tpu.memory_space<vmem>>[vector<16xi32>, vector<16xi32>], vector<16xi32>,
      %broadcast_in_dim3A_279 = arith.constant 1 : i32
      %broadcast_in_dim3A_280 = vector.broadcast %broadcast_in_dim3A_279 : i32 to vector<16xi32>
      %gather3A_281 = tpu.vector_load_idx %arg15[%add3A_275, %broadcast_in_dim3A_280] : memref<4096x3xi32, #tpu.memory_space<vmem>>[vector<16xi32>, vector<16xi32>], vector<16xi32>,
      %broadcast_in_dim3A_282 = arith.constant 2 : i32
      %broadcast_in_dim3A_283 = vector.broadcast %broadcast_in_dim3A_282 : i32 to vector<16xi32>
      %gather3A_284 = tpu.vector_load_idx %arg15[%add3A_275, %broadcast_in_dim3A_283] : memref<4096x3xi32, #tpu.memory_space<vmem>>[vector<16xi32>, vector<16xi32>], vector<16xi32>,
      %mul3A_285 = arith.constant 2 : i32
      %mul3A_286 = vector.broadcast %mul3A_285 : i32 to vector<16xi32>
      %mul3A_287 = arith.muli %mul3A_286, %gather3A_284 : vector<16xi32>
      %gather3A_288 = tpu.vector_load_idx %arg12[%gather3A_281, %gather3A_278, %mul3A_287] : memref<10x10x20xf32, #tpu.memory_space<vmem>>[vector<16xi32>, vector<16xi32>, vector<16xi32>], vector<16xf32>,
      %mul3A_289 = arith.constant 2 : i32
      %mul3A_290 = vector.broadcast %mul3A_289 : i32 to vector<16xi32>
      %mul3A_291 = arith.muli %mul3A_290, %gather3A_284 : vector<16xi32>
      %add3A_292 = arith.constant 1 : i32
      %add3A_293 = vector.broadcast %add3A_292 : i32 to vector<16xi32>
      %add3A_294 = arith.addi %mul3A_291, %add3A_293 : vector<16xi32>
      %gather3A_295 = tpu.vector_load_idx %arg12[%gather3A_281, %gather3A_278, %add3A_294] : memref<10x10x20xf32, #tpu.memory_space<vmem>>[vector<16xi32>, vector<16xi32>, vector<16xi32>], vector<16xf32>,
      %get3A_296 = arith.index_cast %add3A_273 : i32 to index
      %get3A_297 = tpu.vector_load %arg16[%get3A_296] {strides = array<i32>} : memref<4096xi32, #tpu.memory_space<vmem>>, vector<16xi32>,
      %eq3A_298 = arith.constant 1 : i32
      %eq3A_299 = vector.broadcast %eq3A_298 : i32 to vector<16xi32>
      %eq3A_300 = arith.cmpi eq, %get3A_297, %eq3A_299 : vector<16xi32>
      %sub3A_301 = arith.subf %gather3A_295, %gather3A_288 : vector<16xf32>
      %sub3A_302 = arith.subf %gather3A_288, %gather3A_295 : vector<16xf32>
      %select_n3A_303 = arith.select %eq3A_300, %sub3A_301, %sub3A_302 : vector<16xi1>, vector<16xf32>
      %abs3A_304 = math.absf %select_n3A_303 : vector<16xf32>
      %neg3A_305 = arith.constant 0.000000e+00 : f32
      %neg3A_306 = vector.broadcast %neg3A_305 : f32 to vector<16xf32>
      %neg3A_307 = arith.subf %neg3A_306, %abs3A_304 : vector<16xf32>
      %exp3A_308 = math.exp %neg3A_307 : vector<16xf32>
      %neg3A_309 = arith.constant 0.000000e+00 : f32
      %neg3A_310 = vector.broadcast %neg3A_309 : f32 to vector<16xf32>
      %neg3A_311 = arith.subf %neg3A_310, %select_n3A_303 : vector<16xf32>
      %max3A_312 = arith.constant 0.000000e+00 : f32
      %max3A_313 = vector.broadcast %max3A_312 : f32 to vector<16xf32>
      %max3A_314 = arith.maximumf %neg3A_311, %max3A_313 : vector<16xf32>
      %add3A_315 = arith.constant 1.000000e+00 : f32
      %add3A_316 = vector.broadcast %add3A_315 : f32 to vector<16xf32>
      %add3A_317 = arith.addf %add3A_316, %exp3A_308 : vector<16xf32>
      %sub3A_318 = arith.constant 1.000000e+00 : f32
      %sub3A_319 = vector.broadcast %sub3A_318 : f32 to vector<16xf32>
      %sub3A_320 = arith.subf %exp3A_308, %sub3A_319 : vector<16xf32>
      %neg3A_321 = arith.constant 0.000000e+00 : f32
      %neg3A_322 = vector.broadcast %neg3A_321 : f32 to vector<16xf32>
      %neg3A_323 = arith.subf %neg3A_322, %exp3A_308 : vector<16xf32>
      %exp3A_324 = math.exp %neg3A_323 : vector<16xf32>
      %mul3A_325 = arith.mulf %add3A_317, %exp3A_324 : vector<16xf32>
      %add3A_326 = arith.addf %sub3A_320, %mul3A_325 : vector<16xf32>
      %sub3A_327 = arith.constant 1.000000e+00 : f32
      %sub3A_328 = vector.broadcast %sub3A_327 : f32 to vector<16xf32>
      %sub3A_329 = arith.subf %add3A_326, %sub3A_328 : vector<16xf32>
      %neg3A_330 = arith.constant 0.000000e+00 : f32
      %neg3A_331 = vector.broadcast %neg3A_330 : f32 to vector<16xf32>
      %neg3A_332 = arith.subf %neg3A_331, %add3A_326 : vector<16xf32>
      %exp3A_333 = math.exp %neg3A_332 : vector<16xf32>
      %mul3A_334 = arith.mulf %add3A_317, %exp3A_333 : vector<16xf32>
      %add3A_335 = arith.addf %sub3A_329, %mul3A_334 : vector<16xf32>
      %sub3A_336 = arith.constant 1.000000e+00 : f32
      %sub3A_337 = vector.broadcast %sub3A_336 : f32 to vector<16xf32>
      %sub3A_338 = arith.subf %add3A_335, %sub3A_337 : vector<16xf32>
      %neg3A_339 = arith.constant 0.000000e+00 : f32
      %neg3A_340 = vector.broadcast %neg3A_339 : f32 to vector<16xf32>
      %neg3A_341 = arith.subf %neg3A_340, %add3A_335 : vector<16xf32>
      %exp3A_342 = math.exp %neg3A_341 : vector<16xf32>
      %mul3A_343 = arith.mulf %add3A_317, %exp3A_342 : vector<16xf32>
      %add3A_344 = arith.addf %sub3A_338, %mul3A_343 : vector<16xf32>
      %add3A_345 = arith.addf %max3A_314, %add3A_344 : vector<16xf32>
      %add3A_346 = arith.addf %scan3A_193, %add3A_345 : vector<16xf32>
      %mul3A_347 = arith.constant 2048 : i32
      %mul3A_348 = arith.muli %mul3A_347, %arg0 : i32
      %mul3A_349 = arith.constant 64 : i32
      %mul3A_350 = arith.muli %scan3A_191, %mul3A_349 : i32
      %add3A_351 = arith.addi %mul3A_348, %mul3A_350 : i32
      %add3A_352 = arith.constant 32 : i32
      %add3A_353 = arith.addi %add3A_351, %add3A_352 : i32
      %add3A_354 = vector.broadcast %add3A_353 : i32 to vector<16xi32>
      %add3A_355 = arith.addi %add3A_354, %iota3A : vector<16xi32>
      %broadcast_in_dim3A_356 = arith.constant 0 : i32
      %broadcast_in_dim3A_357 = vector.broadcast %broadcast_in_dim3A_356 : i32 to vector<16xi32>
      %gather3A_358 = tpu.vector_load_idx %arg15[%add3A_355, %broadcast_in_dim3A_357] : memref<4096x3xi32, #tpu.memory_space<vmem>>[vector<16xi32>, vector<16xi32>], vector<16xi32>,
      %broadcast_in_dim3A_359 = arith.constant 1 : i32
      %broadcast_in_dim3A_360 = vector.broadcast %broadcast_in_dim3A_359 : i32 to vector<16xi32>
      %gather3A_361 = tpu.vector_load_idx %arg15[%add3A_355, %broadcast_in_dim3A_360] : memref<4096x3xi32, #tpu.memory_space<vmem>>[vector<16xi32>, vector<16xi32>], vector<16xi32>,
      %broadcast_in_dim3A_362 = arith.constant 2 : i32
      %broadcast_in_dim3A_363 = vector.broadcast %broadcast_in_dim3A_362 : i32 to vector<16xi32>
      %gather3A_364 = tpu.vector_load_idx %arg15[%add3A_355, %broadcast_in_dim3A_363] : memref<4096x3xi32, #tpu.memory_space<vmem>>[vector<16xi32>, vector<16xi32>], vector<16xi32>,
      %mul3A_365 = arith.constant 2 : i32
      %mul3A_366 = vector.broadcast %mul3A_365 : i32 to vector<16xi32>
      %mul3A_367 = arith.muli %mul3A_366, %gather3A_364 : vector<16xi32>
      %gather3A_368 = tpu.vector_load_idx %arg12[%gather3A_361, %gather3A_358, %mul3A_367] : memref<10x10x20xf32, #tpu.memory_space<vmem>>[vector<16xi32>, vector<16xi32>, vector<16xi32>], vector<16xf32>,
      %mul3A_369 = arith.constant 2 : i32
      %mul3A_370 = vector.broadcast %mul3A_369 : i32 to vector<16xi32>
      %mul3A_371 = arith.muli %mul3A_370, %gather3A_364 : vector<16xi32>
      %add3A_372 = arith.constant 1 : i32
      %add3A_373 = vector.broadcast %add3A_372 : i32 to vector<16xi32>
      %add3A_374 = arith.addi %mul3A_371, %add3A_373 : vector<16xi32>
      %gather3A_375 = tpu.vector_load_idx %arg12[%gather3A_361, %gather3A_358, %add3A_374] : memref<10x10x20xf32, #tpu.memory_space<vmem>>[vector<16xi32>, vector<16xi32>, vector<16xi32>], vector<16xf32>,
      %get3A_376 = arith.index_cast %add3A_353 : i32 to index
      %get3A_377 = tpu.vector_load %arg16[%get3A_376] {strides = array<i32>} : memref<4096xi32, #tpu.memory_space<vmem>>, vector<16xi32>,
      %eq3A_378 = arith.constant 1 : i32
      %eq3A_379 = vector.broadcast %eq3A_378 : i32 to vector<16xi32>
      %eq3A_380 = arith.cmpi eq, %get3A_377, %eq3A_379 : vector<16xi32>
      %sub3A_381 = arith.subf %gather3A_375, %gather3A_368 : vector<16xf32>
      %sub3A_382 = arith.subf %gather3A_368, %gather3A_375 : vector<16xf32>
      %select_n3A_383 = arith.select %eq3A_380, %sub3A_381, %sub3A_382 : vector<16xi1>, vector<16xf32>
      %abs3A_384 = math.absf %select_n3A_383 : vector<16xf32>
      %neg3A_385 = arith.constant 0.000000e+00 : f32
      %neg3A_386 = vector.broadcast %neg3A_385 : f32 to vector<16xf32>
      %neg3A_387 = arith.subf %neg3A_386, %abs3A_384 : vector<16xf32>
      %exp3A_388 = math.exp %neg3A_387 : vector<16xf32>
      %neg3A_389 = arith.constant 0.000000e+00 : f32
      %neg3A_390 = vector.broadcast %neg3A_389 : f32 to vector<16xf32>
      %neg3A_391 = arith.subf %neg3A_390, %select_n3A_383 : vector<16xf32>
      %max3A_392 = arith.constant 0.000000e+00 : f32
      %max3A_393 = vector.broadcast %max3A_392 : f32 to vector<16xf32>
      %max3A_394 = arith.maximumf %neg3A_391, %max3A_393 : vector<16xf32>
      %add3A_395 = arith.constant 1.000000e+00 : f32
      %add3A_396 = vector.broadcast %add3A_395 : f32 to vector<16xf32>
      %add3A_397 = arith.addf %add3A_396, %exp3A_388 : vector<16xf32>
      %sub3A_398 = arith.constant 1.000000e+00 : f32
      %sub3A_399 = vector.broadcast %sub3A_398 : f32 to vector<16xf32>
      %sub3A_400 = arith.subf %exp3A_388, %sub3A_399 : vector<16xf32>
      %neg3A_401 = arith.constant 0.000000e+00 : f32
      %neg3A_402 = vector.broadcast %neg3A_401 : f32 to vector<16xf32>
      %neg3A_403 = arith.subf %neg3A_402, %exp3A_388 : vector<16xf32>
      %exp3A_404 = math.exp %neg3A_403 : vector<16xf32>
      %mul3A_405 = arith.mulf %add3A_397, %exp3A_404 : vector<16xf32>
      %add3A_406 = arith.addf %sub3A_400, %mul3A_405 : vector<16xf32>
      %sub3A_407 = arith.constant 1.000000e+00 : f32
      %sub3A_408 = vector.broadcast %sub3A_407 : f32 to vector<16xf32>
      %sub3A_409 = arith.subf %add3A_406, %sub3A_408 : vector<16xf32>
      %neg3A_410 = arith.constant 0.000000e+00 : f32
      %neg3A_411 = vector.broadcast %neg3A_410 : f32 to vector<16xf32>
      %neg3A_412 = arith.subf %neg3A_411, %add3A_406 : vector<16xf32>
      %exp3A_413 = math.exp %neg3A_412 : vector<16xf32>
      %mul3A_414 = arith.mulf %add3A_397, %exp3A_413 : vector<16xf32>
      %add3A_415 = arith.addf %sub3A_409, %mul3A_414 : vector<16xf32>
      %sub3A_416 = arith.constant 1.000000e+00 : f32
      %sub3A_417 = vector.broadcast %sub3A_416 : f32 to vector<16xf32>
      %sub3A_418 = arith.subf %add3A_415, %sub3A_417 : vector<16xf32>
      %neg3A_419 = arith.constant 0.000000e+00 : f32
      %neg3A_420 = vector.broadcast %neg3A_419 : f32 to vector<16xf32>
      %neg3A_421 = arith.subf %neg3A_420, %add3A_415 : vector<16xf32>
      %exp3A_422 = math.exp %neg3A_421 : vector<16xf32>
      %mul3A_423 = arith.mulf %add3A_397, %exp3A_422 : vector<16xf32>
      %add3A_424 = arith.addf %sub3A_418, %mul3A_423 : vector<16xf32>
      %add3A_425 = arith.addf %max3A_394, %add3A_424 : vector<16xf32>
      %add3A_426 = arith.addf %scan3A_194, %add3A_425 : vector<16xf32>
      %mul3A_427 = arith.constant 2048 : i32
      %mul3A_428 = arith.muli %mul3A_427, %arg0 : i32
      %mul3A_429 = arith.constant 64 : i32
      %mul3A_430 = arith.muli %scan3A_191, %mul3A_429 : i32
      %add3A_431 = arith.addi %mul3A_428, %mul3A_430 : i32
      %add3A_432 = arith.constant 48 : i32
      %add3A_433 = arith.addi %add3A_431, %add3A_432 : i32
      %add3A_434 = vector.broadcast %add3A_433 : i32 to vector<16xi32>
      %add3A_435 = arith.addi %add3A_434, %iota3A : vector<16xi32>
      %broadcast_in_dim3A_436 = arith.constant 0 : i32
      %broadcast_in_dim3A_437 = vector.broadcast %broadcast_in_dim3A_436 : i32 to vector<16xi32>
      %gather3A_438 = tpu.vector_load_idx %arg15[%add3A_435, %broadcast_in_dim3A_437] : memref<4096x3xi32, #tpu.memory_space<vmem>>[vector<16xi32>, vector<16xi32>], vector<16xi32>,
      %broadcast_in_dim3A_439 = arith.constant 1 : i32
      %broadcast_in_dim3A_440 = vector.broadcast %broadcast_in_dim3A_439 : i32 to vector<16xi32>
      %gather3A_441 = tpu.vector_load_idx %arg15[%add3A_435, %broadcast_in_dim3A_440] : memref<4096x3xi32, #tpu.memory_space<vmem>>[vector<16xi32>, vector<16xi32>], vector<16xi32>,
      %broadcast_in_dim3A_442 = arith.constant 2 : i32
      %broadcast_in_dim3A_443 = vector.broadcast %broadcast_in_dim3A_442 : i32 to vector<16xi32>
      %gather3A_444 = tpu.vector_load_idx %arg15[%add3A_435, %broadcast_in_dim3A_443] : memref<4096x3xi32, #tpu.memory_space<vmem>>[vector<16xi32>, vector<16xi32>], vector<16xi32>,
      %mul3A_445 = arith.constant 2 : i32
      %mul3A_446 = vector.broadcast %mul3A_445 : i32 to vector<16xi32>
      %mul3A_447 = arith.muli %mul3A_446, %gather3A_444 : vector<16xi32>
      %gather3A_448 = tpu.vector_load_idx %arg12[%gather3A_441, %gather3A_438, %mul3A_447] : memref<10x10x20xf32, #tpu.memory_space<vmem>>[vector<16xi32>, vector<16xi32>, vector<16xi32>], vector<16xf32>,
      %mul3A_449 = arith.constant 2 : i32
      %mul3A_450 = vector.broadcast %mul3A_449 : i32 to vector<16xi32>
      %mul3A_451 = arith.muli %mul3A_450, %gather3A_444 : vector<16xi32>
      %add3A_452 = arith.constant 1 : i32
      %add3A_453 = vector.broadcast %add3A_452 : i32 to vector<16xi32>
      %add3A_454 = arith.addi %mul3A_451, %add3A_453 : vector<16xi32>
      %gather3A_455 = tpu.vector_load_idx %arg12[%gather3A_441, %gather3A_438, %add3A_454] : memref<10x10x20xf32, #tpu.memory_space<vmem>>[vector<16xi32>, vector<16xi32>, vector<16xi32>], vector<16xf32>,
      %get3A_456 = arith.index_cast %add3A_433 : i32 to index
      %get3A_457 = tpu.vector_load %arg16[%get3A_456] {strides = array<i32>} : memref<4096xi32, #tpu.memory_space<vmem>>, vector<16xi32>,
      %eq3A_458 = arith.constant 1 : i32
      %eq3A_459 = vector.broadcast %eq3A_458 : i32 to vector<16xi32>
      %eq3A_460 = arith.cmpi eq, %get3A_457, %eq3A_459 : vector<16xi32>
      %sub3A_461 = arith.subf %gather3A_455, %gather3A_448 : vector<16xf32>
      %sub3A_462 = arith.subf %gather3A_448, %gather3A_455 : vector<16xf32>
      %select_n3A_463 = arith.select %eq3A_460, %sub3A_461, %sub3A_462 : vector<16xi1>, vector<16xf32>
      %abs3A_464 = math.absf %select_n3A_463 : vector<16xf32>
      %neg3A_465 = arith.constant 0.000000e+00 : f32
      %neg3A_466 = vector.broadcast %neg3A_465 : f32 to vector<16xf32>
      %neg3A_467 = arith.subf %neg3A_466, %abs3A_464 : vector<16xf32>
      %exp3A_468 = math.exp %neg3A_467 : vector<16xf32>
      %neg3A_469 = arith.constant 0.000000e+00 : f32
      %neg3A_470 = vector.broadcast %neg3A_469 : f32 to vector<16xf32>
      %neg3A_471 = arith.subf %neg3A_470, %select_n3A_463 : vector<16xf32>
      %max3A_472 = arith.constant 0.000000e+00 : f32
      %max3A_473 = vector.broadcast %max3A_472 : f32 to vector<16xf32>
      %max3A_474 = arith.maximumf %neg3A_471, %max3A_473 : vector<16xf32>
      %add3A_475 = arith.constant 1.000000e+00 : f32
      %add3A_476 = vector.broadcast %add3A_475 : f32 to vector<16xf32>
      %add3A_477 = arith.addf %add3A_476, %exp3A_468 : vector<16xf32>
      %sub3A_478 = arith.constant 1.000000e+00 : f32
      %sub3A_479 = vector.broadcast %sub3A_478 : f32 to vector<16xf32>
      %sub3A_480 = arith.subf %exp3A_468, %sub3A_479 : vector<16xf32>
      %neg3A_481 = arith.constant 0.000000e+00 : f32
      %neg3A_482 = vector.broadcast %neg3A_481 : f32 to vector<16xf32>
      %neg3A_483 = arith.subf %neg3A_482, %exp3A_468 : vector<16xf32>
      %exp3A_484 = math.exp %neg3A_483 : vector<16xf32>
      %mul3A_485 = arith.mulf %add3A_477, %exp3A_484 : vector<16xf32>
      %add3A_486 = arith.addf %sub3A_480, %mul3A_485 : vector<16xf32>
      %sub3A_487 = arith.constant 1.000000e+00 : f32
      %sub3A_488 = vector.broadcast %sub3A_487 : f32 to vector<16xf32>
      %sub3A_489 = arith.subf %add3A_486, %sub3A_488 : vector<16xf32>
      %neg3A_490 = arith.constant 0.000000e+00 : f32
      %neg3A_491 = vector.broadcast %neg3A_490 : f32 to vector<16xf32>
      %neg3A_492 = arith.subf %neg3A_491, %add3A_486 : vector<16xf32>
      %exp3A_493 = math.exp %neg3A_492 : vector<16xf32>
      %mul3A_494 = arith.mulf %add3A_477, %exp3A_493 : vector<16xf32>
      %add3A_495 = arith.addf %sub3A_489, %mul3A_494 : vector<16xf32>
      %sub3A_496 = arith.constant 1.000000e+00 : f32
      %sub3A_497 = vector.broadcast %sub3A_496 : f32 to vector<16xf32>
      %sub3A_498 = arith.subf %add3A_495, %sub3A_497 : vector<16xf32>
      %neg3A_499 = arith.constant 0.000000e+00 : f32
      %neg3A_500 = vector.broadcast %neg3A_499 : f32 to vector<16xf32>
      %neg3A_501 = arith.subf %neg3A_500, %add3A_495 : vector<16xf32>
      %exp3A_502 = math.exp %neg3A_501 : vector<16xf32>
      %mul3A_503 = arith.mulf %add3A_477, %exp3A_502 : vector<16xf32>
      %add3A_504 = arith.addf %sub3A_498, %mul3A_503 : vector<16xf32>
      %add3A_505 = arith.addf %max3A_474, %add3A_504 : vector<16xf32>
      %add3A_506 = arith.addf %scan3A_195, %add3A_505 : vector<16xf32>
      scf.yield %add3A_266, %add3A_346, %add3A_426, %add3A_506 : vector<16xf32>, vector<16xf32>, vector<16xf32>, vector<16xf32>
    }
    %scan3A_158 = arith.constant 32 : i32
    %add3A_159 = arith.addf %scan3A_157#0, %scan3A_157#1 : vector<16xf32>
    %add3A_160 = arith.addf %add3A_159, %scan3A_157#2 : vector<16xf32>
    %add3A_161 = arith.addf %add3A_160, %scan3A_157#3 : vector<16xf32>
    %scan3A_162 = arith.constant 0 : i32
    %scan3A_163 = arith.constant 16 : i32
    %scan3A_164 = arith.addi %scan3A_162, %scan3A_163 : i32
    %scan3A_165 = arith.constant 1 : i32
    %scan3A_166:4 = scf.for %scan3A_191 = %scan3A_162 to %scan3A_164 step %scan3A_165 iter_args(%scan3A_192 = %broadcast_in_dim3A_147, %scan3A_193 = %broadcast_in_dim3A_149, %scan3A_194 = %broadcast_in_dim3A_151, %scan3A_195 = %broadcast_in_dim3A_153) -> (vector<16xf32>, vector<16xf32>, vector<16xf32>, vector<16xf32>)  : i32 {
      %mul3A_196 = arith.constant 1024 : i32
      %mul3A_197 = arith.muli %mul3A_196, %arg0 : i32
      %mul3A_198 = arith.constant 64 : i32
      %mul3A_199 = arith.muli %scan3A_191, %mul3A_198 : i32
      %add3A_200 = arith.addi %mul3A_197, %mul3A_199 : i32
      %add3A_201 = arith.constant 0 : i32
      %add3A_202 = arith.addi %add3A_200, %add3A_201 : i32
      %add3A_203 = vector.broadcast %add3A_202 : i32 to vector<16xi32>
      %add3A_204 = arith.addi %add3A_203, %iota3A : vector<16xi32>
      %broadcast_in_dim3A_205 = arith.constant 0 : i32
      %broadcast_in_dim3A_206 = vector.broadcast %broadcast_in_dim3A_205 : i32 to vector<16xi32>
      %gather3A = tpu.vector_load_idx %arg17[%add3A_204, %broadcast_in_dim3A_206] : memref<2048x3xi32, #tpu.memory_space<vmem>>[vector<16xi32>, vector<16xi32>], vector<16xi32>,
      %broadcast_in_dim3A_207 = arith.constant 1 : i32
      %broadcast_in_dim3A_208 = vector.broadcast %broadcast_in_dim3A_207 : i32 to vector<16xi32>
      %gather3A_209 = tpu.vector_load_idx %arg17[%add3A_204, %broadcast_in_dim3A_208] : memref<2048x3xi32, #tpu.memory_space<vmem>>[vector<16xi32>, vector<16xi32>], vector<16xi32>,
      %broadcast_in_dim3A_210 = arith.constant 2 : i32
      %broadcast_in_dim3A_211 = vector.broadcast %broadcast_in_dim3A_210 : i32 to vector<16xi32>
      %gather3A_212 = tpu.vector_load_idx %arg17[%add3A_204, %broadcast_in_dim3A_211] : memref<2048x3xi32, #tpu.memory_space<vmem>>[vector<16xi32>, vector<16xi32>], vector<16xi32>,
      %mul3A_213 = arith.constant 2 : i32
      %mul3A_214 = vector.broadcast %mul3A_213 : i32 to vector<16xi32>
      %mul3A_215 = arith.muli %mul3A_214, %gather3A_212 : vector<16xi32>
      %gather3A_216 = tpu.vector_load_idx %arg13[%gather3A_209, %gather3A, %mul3A_215] : memref<10x10x20xf32, #tpu.memory_space<vmem>>[vector<16xi32>, vector<16xi32>, vector<16xi32>], vector<16xf32>,
      %mul3A_217 = arith.constant 2 : i32
      %mul3A_218 = vector.broadcast %mul3A_217 : i32 to vector<16xi32>
      %mul3A_219 = arith.muli %mul3A_218, %gather3A_212 : vector<16xi32>
      %add3A_220 = arith.constant 1 : i32
      %add3A_221 = vector.broadcast %add3A_220 : i32 to vector<16xi32>
      %add3A_222 = arith.addi %mul3A_219, %add3A_221 : vector<16xi32>
      %gather3A_223 = tpu.vector_load_idx %arg13[%gather3A_209, %gather3A, %add3A_222] : memref<10x10x20xf32, #tpu.memory_space<vmem>>[vector<16xi32>, vector<16xi32>, vector<16xi32>], vector<16xf32>,
      %broadcast_in_dim3A_224 = arith.constant 0 : i32
      %broadcast_in_dim3A_225 = vector.broadcast %broadcast_in_dim3A_224 : i32 to vector<16xi32>
      %gather3A_226 = tpu.vector_load_idx %arg18[%add3A_204, %broadcast_in_dim3A_225] : memref<2048x2xf32, #tpu.memory_space<vmem>>[vector<16xi32>, vector<16xi32>], vector<16xf32>,
      %broadcast_in_dim3A_227 = arith.constant 1 : i32
      %broadcast_in_dim3A_228 = vector.broadcast %broadcast_in_dim3A_227 : i32 to vector<16xi32>
      %gather3A_229 = tpu.vector_load_idx %arg18[%add3A_204, %broadcast_in_dim3A_228] : memref<2048x2xf32, #tpu.memory_space<vmem>>[vector<16xi32>, vector<16xi32>], vector<16xf32>,
      %sub3A = arith.subf %gather3A_216, %gather3A_226 : vector<16xf32>
      %abs3A = math.absf %sub3A : vector<16xf32>
      %lt3A = arith.constant 1.000000e+00 : f32
      %lt3A_230 = vector.broadcast %lt3A : f32 to vector<16xf32>
      %lt3A_231 = arith.cmpf olt, %abs3A, %lt3A_230 : vector<16xf32>
      %mul3A_232 = arith.constant 5.000000e-01 : f32
      %mul3A_233 = vector.broadcast %mul3A_232 : f32 to vector<16xf32>
      %mul3A_234 = arith.mulf %mul3A_233, %sub3A : vector<16xf32>
      %mul3A_235 = arith.mulf %mul3A_234, %sub3A : vector<16xf32>
      %sub3A_236 = arith.constant 5.000000e-01 : f32
      %sub3A_237 = vector.broadcast %sub3A_236 : f32 to vector<16xf32>
      %sub3A_238 = arith.subf %abs3A, %sub3A_237 : vector<16xf32>
      %select_n3A = arith.select %lt3A_231, %mul3A_235, %sub3A_238 : vector<16xi1>, vector<16xf32>
      %sub3A_239 = arith.subf %gather3A_223, %gather3A_229 : vector<16xf32>
      %abs3A_240 = math.absf %sub3A_239 : vector<16xf32>
      %lt3A_241 = arith.constant 1.000000e+00 : f32
      %lt3A_242 = vector.broadcast %lt3A_241 : f32 to vector<16xf32>
      %lt3A_243 = arith.cmpf olt, %abs3A_240, %lt3A_242 : vector<16xf32>
      %mul3A_244 = arith.constant 5.000000e-01 : f32
      %mul3A_245 = vector.broadcast %mul3A_244 : f32 to vector<16xf32>
      %mul3A_246 = arith.mulf %mul3A_245, %sub3A_239 : vector<16xf32>
      %mul3A_247 = arith.mulf %mul3A_246, %sub3A_239 : vector<16xf32>
      %sub3A_248 = arith.constant 5.000000e-01 : f32
      %sub3A_249 = vector.broadcast %sub3A_248 : f32 to vector<16xf32>
      %sub3A_250 = arith.subf %abs3A_240, %sub3A_249 : vector<16xf32>
      %select_n3A_251 = arith.select %lt3A_243, %mul3A_247, %sub3A_250 : vector<16xi1>, vector<16xf32>
      %add3A_252 = arith.addf %select_n3A, %select_n3A_251 : vector<16xf32>
      %add3A_253 = arith.addf %scan3A_192, %add3A_252 : vector<16xf32>
      %mul3A_254 = arith.constant 1024 : i32
      %mul3A_255 = arith.muli %mul3A_254, %arg0 : i32
      %mul3A_256 = arith.constant 64 : i32
      %mul3A_257 = arith.muli %scan3A_191, %mul3A_256 : i32
      %add3A_258 = arith.addi %mul3A_255, %mul3A_257 : i32
      %add3A_259 = arith.constant 16 : i32
      %add3A_260 = arith.addi %add3A_258, %add3A_259 : i32
      %add3A_261 = vector.broadcast %add3A_260 : i32 to vector<16xi32>
      %add3A_262 = arith.addi %add3A_261, %iota3A : vector<16xi32>
      %broadcast_in_dim3A_263 = arith.constant 0 : i32
      %broadcast_in_dim3A_264 = vector.broadcast %broadcast_in_dim3A_263 : i32 to vector<16xi32>
      %gather3A_265 = tpu.vector_load_idx %arg17[%add3A_262, %broadcast_in_dim3A_264] : memref<2048x3xi32, #tpu.memory_space<vmem>>[vector<16xi32>, vector<16xi32>], vector<16xi32>,
      %broadcast_in_dim3A_266 = arith.constant 1 : i32
      %broadcast_in_dim3A_267 = vector.broadcast %broadcast_in_dim3A_266 : i32 to vector<16xi32>
      %gather3A_268 = tpu.vector_load_idx %arg17[%add3A_262, %broadcast_in_dim3A_267] : memref<2048x3xi32, #tpu.memory_space<vmem>>[vector<16xi32>, vector<16xi32>], vector<16xi32>,
      %broadcast_in_dim3A_269 = arith.constant 2 : i32
      %broadcast_in_dim3A_270 = vector.broadcast %broadcast_in_dim3A_269 : i32 to vector<16xi32>
      %gather3A_271 = tpu.vector_load_idx %arg17[%add3A_262, %broadcast_in_dim3A_270] : memref<2048x3xi32, #tpu.memory_space<vmem>>[vector<16xi32>, vector<16xi32>], vector<16xi32>,
      %mul3A_272 = arith.constant 2 : i32
      %mul3A_273 = vector.broadcast %mul3A_272 : i32 to vector<16xi32>
      %mul3A_274 = arith.muli %mul3A_273, %gather3A_271 : vector<16xi32>
      %gather3A_275 = tpu.vector_load_idx %arg13[%gather3A_268, %gather3A_265, %mul3A_274] : memref<10x10x20xf32, #tpu.memory_space<vmem>>[vector<16xi32>, vector<16xi32>, vector<16xi32>], vector<16xf32>,
      %mul3A_276 = arith.constant 2 : i32
      %mul3A_277 = vector.broadcast %mul3A_276 : i32 to vector<16xi32>
      %mul3A_278 = arith.muli %mul3A_277, %gather3A_271 : vector<16xi32>
      %add3A_279 = arith.constant 1 : i32
      %add3A_280 = vector.broadcast %add3A_279 : i32 to vector<16xi32>
      %add3A_281 = arith.addi %mul3A_278, %add3A_280 : vector<16xi32>
      %gather3A_282 = tpu.vector_load_idx %arg13[%gather3A_268, %gather3A_265, %add3A_281] : memref<10x10x20xf32, #tpu.memory_space<vmem>>[vector<16xi32>, vector<16xi32>, vector<16xi32>], vector<16xf32>,
      %broadcast_in_dim3A_283 = arith.constant 0 : i32
      %broadcast_in_dim3A_284 = vector.broadcast %broadcast_in_dim3A_283 : i32 to vector<16xi32>
      %gather3A_285 = tpu.vector_load_idx %arg18[%add3A_262, %broadcast_in_dim3A_284] : memref<2048x2xf32, #tpu.memory_space<vmem>>[vector<16xi32>, vector<16xi32>], vector<16xf32>,
      %broadcast_in_dim3A_286 = arith.constant 1 : i32
      %broadcast_in_dim3A_287 = vector.broadcast %broadcast_in_dim3A_286 : i32 to vector<16xi32>
      %gather3A_288 = tpu.vector_load_idx %arg18[%add3A_262, %broadcast_in_dim3A_287] : memref<2048x2xf32, #tpu.memory_space<vmem>>[vector<16xi32>, vector<16xi32>], vector<16xf32>,
      %sub3A_289 = arith.subf %gather3A_275, %gather3A_285 : vector<16xf32>
      %abs3A_290 = math.absf %sub3A_289 : vector<16xf32>
      %lt3A_291 = arith.constant 1.000000e+00 : f32
      %lt3A_292 = vector.broadcast %lt3A_291 : f32 to vector<16xf32>
      %lt3A_293 = arith.cmpf olt, %abs3A_290, %lt3A_292 : vector<16xf32>
      %mul3A_294 = arith.constant 5.000000e-01 : f32
      %mul3A_295 = vector.broadcast %mul3A_294 : f32 to vector<16xf32>
      %mul3A_296 = arith.mulf %mul3A_295, %sub3A_289 : vector<16xf32>
      %mul3A_297 = arith.mulf %mul3A_296, %sub3A_289 : vector<16xf32>
      %sub3A_298 = arith.constant 5.000000e-01 : f32
      %sub3A_299 = vector.broadcast %sub3A_298 : f32 to vector<16xf32>
      %sub3A_300 = arith.subf %abs3A_290, %sub3A_299 : vector<16xf32>
      %select_n3A_301 = arith.select %lt3A_293, %mul3A_297, %sub3A_300 : vector<16xi1>, vector<16xf32>
      %sub3A_302 = arith.subf %gather3A_282, %gather3A_288 : vector<16xf32>
      %abs3A_303 = math.absf %sub3A_302 : vector<16xf32>
      %lt3A_304 = arith.constant 1.000000e+00 : f32
      %lt3A_305 = vector.broadcast %lt3A_304 : f32 to vector<16xf32>
      %lt3A_306 = arith.cmpf olt, %abs3A_303, %lt3A_305 : vector<16xf32>
      %mul3A_307 = arith.constant 5.000000e-01 : f32
      %mul3A_308 = vector.broadcast %mul3A_307 : f32 to vector<16xf32>
      %mul3A_309 = arith.mulf %mul3A_308, %sub3A_302 : vector<16xf32>
      %mul3A_310 = arith.mulf %mul3A_309, %sub3A_302 : vector<16xf32>
      %sub3A_311 = arith.constant 5.000000e-01 : f32
      %sub3A_312 = vector.broadcast %sub3A_311 : f32 to vector<16xf32>
      %sub3A_313 = arith.subf %abs3A_303, %sub3A_312 : vector<16xf32>
      %select_n3A_314 = arith.select %lt3A_306, %mul3A_310, %sub3A_313 : vector<16xi1>, vector<16xf32>
      %add3A_315 = arith.addf %select_n3A_301, %select_n3A_314 : vector<16xf32>
      %add3A_316 = arith.addf %scan3A_193, %add3A_315 : vector<16xf32>
      %mul3A_317 = arith.constant 1024 : i32
      %mul3A_318 = arith.muli %mul3A_317, %arg0 : i32
      %mul3A_319 = arith.constant 64 : i32
      %mul3A_320 = arith.muli %scan3A_191, %mul3A_319 : i32
      %add3A_321 = arith.addi %mul3A_318, %mul3A_320 : i32
      %add3A_322 = arith.constant 32 : i32
      %add3A_323 = arith.addi %add3A_321, %add3A_322 : i32
      %add3A_324 = vector.broadcast %add3A_323 : i32 to vector<16xi32>
      %add3A_325 = arith.addi %add3A_324, %iota3A : vector<16xi32>
      %broadcast_in_dim3A_326 = arith.constant 0 : i32
      %broadcast_in_dim3A_327 = vector.broadcast %broadcast_in_dim3A_326 : i32 to vector<16xi32>
      %gather3A_328 = tpu.vector_load_idx %arg17[%add3A_325, %broadcast_in_dim3A_327] : memref<2048x3xi32, #tpu.memory_space<vmem>>[vector<16xi32>, vector<16xi32>], vector<16xi32>,
      %broadcast_in_dim3A_329 = arith.constant 1 : i32
      %broadcast_in_dim3A_330 = vector.broadcast %broadcast_in_dim3A_329 : i32 to vector<16xi32>
      %gather3A_331 = tpu.vector_load_idx %arg17[%add3A_325, %broadcast_in_dim3A_330] : memref<2048x3xi32, #tpu.memory_space<vmem>>[vector<16xi32>, vector<16xi32>], vector<16xi32>,
      %broadcast_in_dim3A_332 = arith.constant 2 : i32
      %broadcast_in_dim3A_333 = vector.broadcast %broadcast_in_dim3A_332 : i32 to vector<16xi32>
      %gather3A_334 = tpu.vector_load_idx %arg17[%add3A_325, %broadcast_in_dim3A_333] : memref<2048x3xi32, #tpu.memory_space<vmem>>[vector<16xi32>, vector<16xi32>], vector<16xi32>,
      %mul3A_335 = arith.constant 2 : i32
      %mul3A_336 = vector.broadcast %mul3A_335 : i32 to vector<16xi32>
      %mul3A_337 = arith.muli %mul3A_336, %gather3A_334 : vector<16xi32>
      %gather3A_338 = tpu.vector_load_idx %arg13[%gather3A_331, %gather3A_328, %mul3A_337] : memref<10x10x20xf32, #tpu.memory_space<vmem>>[vector<16xi32>, vector<16xi32>, vector<16xi32>], vector<16xf32>,
      %mul3A_339 = arith.constant 2 : i32
      %mul3A_340 = vector.broadcast %mul3A_339 : i32 to vector<16xi32>
      %mul3A_341 = arith.muli %mul3A_340, %gather3A_334 : vector<16xi32>
      %add3A_342 = arith.constant 1 : i32
      %add3A_343 = vector.broadcast %add3A_342 : i32 to vector<16xi32>
      %add3A_344 = arith.addi %mul3A_341, %add3A_343 : vector<16xi32>
      %gather3A_345 = tpu.vector_load_idx %arg13[%gather3A_331, %gather3A_328, %add3A_344] : memref<10x10x20xf32, #tpu.memory_space<vmem>>[vector<16xi32>, vector<16xi32>, vector<16xi32>], vector<16xf32>,
      %broadcast_in_dim3A_346 = arith.constant 0 : i32
      %broadcast_in_dim3A_347 = vector.broadcast %broadcast_in_dim3A_346 : i32 to vector<16xi32>
      %gather3A_348 = tpu.vector_load_idx %arg18[%add3A_325, %broadcast_in_dim3A_347] : memref<2048x2xf32, #tpu.memory_space<vmem>>[vector<16xi32>, vector<16xi32>], vector<16xf32>,
      %broadcast_in_dim3A_349 = arith.constant 1 : i32
      %broadcast_in_dim3A_350 = vector.broadcast %broadcast_in_dim3A_349 : i32 to vector<16xi32>
      %gather3A_351 = tpu.vector_load_idx %arg18[%add3A_325, %broadcast_in_dim3A_350] : memref<2048x2xf32, #tpu.memory_space<vmem>>[vector<16xi32>, vector<16xi32>], vector<16xf32>,
      %sub3A_352 = arith.subf %gather3A_338, %gather3A_348 : vector<16xf32>
      %abs3A_353 = math.absf %sub3A_352 : vector<16xf32>
      %lt3A_354 = arith.constant 1.000000e+00 : f32
      %lt3A_355 = vector.broadcast %lt3A_354 : f32 to vector<16xf32>
      %lt3A_356 = arith.cmpf olt, %abs3A_353, %lt3A_355 : vector<16xf32>
      %mul3A_357 = arith.constant 5.000000e-01 : f32
      %mul3A_358 = vector.broadcast %mul3A_357 : f32 to vector<16xf32>
      %mul3A_359 = arith.mulf %mul3A_358, %sub3A_352 : vector<16xf32>
      %mul3A_360 = arith.mulf %mul3A_359, %sub3A_352 : vector<16xf32>
      %sub3A_361 = arith.constant 5.000000e-01 : f32
      %sub3A_362 = vector.broadcast %sub3A_361 : f32 to vector<16xf32>
      %sub3A_363 = arith.subf %abs3A_353, %sub3A_362 : vector<16xf32>
      %select_n3A_364 = arith.select %lt3A_356, %mul3A_360, %sub3A_363 : vector<16xi1>, vector<16xf32>
      %sub3A_365 = arith.subf %gather3A_345, %gather3A_351 : vector<16xf32>
      %abs3A_366 = math.absf %sub3A_365 : vector<16xf32>
      %lt3A_367 = arith.constant 1.000000e+00 : f32
      %lt3A_368 = vector.broadcast %lt3A_367 : f32 to vector<16xf32>
      %lt3A_369 = arith.cmpf olt, %abs3A_366, %lt3A_368 : vector<16xf32>
      %mul3A_370 = arith.constant 5.000000e-01 : f32
      %mul3A_371 = vector.broadcast %mul3A_370 : f32 to vector<16xf32>
      %mul3A_372 = arith.mulf %mul3A_371, %sub3A_365 : vector<16xf32>
      %mul3A_373 = arith.mulf %mul3A_372, %sub3A_365 : vector<16xf32>
      %sub3A_374 = arith.constant 5.000000e-01 : f32
      %sub3A_375 = vector.broadcast %sub3A_374 : f32 to vector<16xf32>
      %sub3A_376 = arith.subf %abs3A_366, %sub3A_375 : vector<16xf32>
      %select_n3A_377 = arith.select %lt3A_369, %mul3A_373, %sub3A_376 : vector<16xi1>, vector<16xf32>
      %add3A_378 = arith.addf %select_n3A_364, %select_n3A_377 : vector<16xf32>
      %add3A_379 = arith.addf %scan3A_194, %add3A_378 : vector<16xf32>
      %mul3A_380 = arith.constant 1024 : i32
      %mul3A_381 = arith.muli %mul3A_380, %arg0 : i32
      %mul3A_382 = arith.constant 64 : i32
      %mul3A_383 = arith.muli %scan3A_191, %mul3A_382 : i32
      %add3A_384 = arith.addi %mul3A_381, %mul3A_383 : i32
      %add3A_385 = arith.constant 48 : i32
      %add3A_386 = arith.addi %add3A_384, %add3A_385 : i32
      %add3A_387 = vector.broadcast %add3A_386 : i32 to vector<16xi32>
      %add3A_388 = arith.addi %add3A_387, %iota3A : vector<16xi32>
      %broadcast_in_dim3A_389 = arith.constant 0 : i32
      %broadcast_in_dim3A_390 = vector.broadcast %broadcast_in_dim3A_389 : i32 to vector<16xi32>
      %gather3A_391 = tpu.vector_load_idx %arg17[%add3A_388, %broadcast_in_dim3A_390] : memref<2048x3xi32, #tpu.memory_space<vmem>>[vector<16xi32>, vector<16xi32>], vector<16xi32>,
      %broadcast_in_dim3A_392 = arith.constant 1 : i32
      %broadcast_in_dim3A_393 = vector.broadcast %broadcast_in_dim3A_392 : i32 to vector<16xi32>
      %gather3A_394 = tpu.vector_load_idx %arg17[%add3A_388, %broadcast_in_dim3A_393] : memref<2048x3xi32, #tpu.memory_space<vmem>>[vector<16xi32>, vector<16xi32>], vector<16xi32>,
      %broadcast_in_dim3A_395 = arith.constant 2 : i32
      %broadcast_in_dim3A_396 = vector.broadcast %broadcast_in_dim3A_395 : i32 to vector<16xi32>
      %gather3A_397 = tpu.vector_load_idx %arg17[%add3A_388, %broadcast_in_dim3A_396] : memref<2048x3xi32, #tpu.memory_space<vmem>>[vector<16xi32>, vector<16xi32>], vector<16xi32>,
      %mul3A_398 = arith.constant 2 : i32
      %mul3A_399 = vector.broadcast %mul3A_398 : i32 to vector<16xi32>
      %mul3A_400 = arith.muli %mul3A_399, %gather3A_397 : vector<16xi32>
      %gather3A_401 = tpu.vector_load_idx %arg13[%gather3A_394, %gather3A_391, %mul3A_400] : memref<10x10x20xf32, #tpu.memory_space<vmem>>[vector<16xi32>, vector<16xi32>, vector<16xi32>], vector<16xf32>,
      %mul3A_402 = arith.constant 2 : i32
      %mul3A_403 = vector.broadcast %mul3A_402 : i32 to vector<16xi32>
      %mul3A_404 = arith.muli %mul3A_403, %gather3A_397 : vector<16xi32>
      %add3A_405 = arith.constant 1 : i32
      %add3A_406 = vector.broadcast %add3A_405 : i32 to vector<16xi32>
      %add3A_407 = arith.addi %mul3A_404, %add3A_406 : vector<16xi32>
      %gather3A_408 = tpu.vector_load_idx %arg13[%gather3A_394, %gather3A_391, %add3A_407] : memref<10x10x20xf32, #tpu.memory_space<vmem>>[vector<16xi32>, vector<16xi32>, vector<16xi32>], vector<16xf32>,
      %broadcast_in_dim3A_409 = arith.constant 0 : i32
      %broadcast_in_dim3A_410 = vector.broadcast %broadcast_in_dim3A_409 : i32 to vector<16xi32>
      %gather3A_411 = tpu.vector_load_idx %arg18[%add3A_388, %broadcast_in_dim3A_410] : memref<2048x2xf32, #tpu.memory_space<vmem>>[vector<16xi32>, vector<16xi32>], vector<16xf32>,
      %broadcast_in_dim3A_412 = arith.constant 1 : i32
      %broadcast_in_dim3A_413 = vector.broadcast %broadcast_in_dim3A_412 : i32 to vector<16xi32>
      %gather3A_414 = tpu.vector_load_idx %arg18[%add3A_388, %broadcast_in_dim3A_413] : memref<2048x2xf32, #tpu.memory_space<vmem>>[vector<16xi32>, vector<16xi32>], vector<16xf32>,
      %sub3A_415 = arith.subf %gather3A_401, %gather3A_411 : vector<16xf32>
      %abs3A_416 = math.absf %sub3A_415 : vector<16xf32>
      %lt3A_417 = arith.constant 1.000000e+00 : f32
      %lt3A_418 = vector.broadcast %lt3A_417 : f32 to vector<16xf32>
      %lt3A_419 = arith.cmpf olt, %abs3A_416, %lt3A_418 : vector<16xf32>
      %mul3A_420 = arith.constant 5.000000e-01 : f32
      %mul3A_421 = vector.broadcast %mul3A_420 : f32 to vector<16xf32>
      %mul3A_422 = arith.mulf %mul3A_421, %sub3A_415 : vector<16xf32>
      %mul3A_423 = arith.mulf %mul3A_422, %sub3A_415 : vector<16xf32>
      %sub3A_424 = arith.constant 5.000000e-01 : f32
      %sub3A_425 = vector.broadcast %sub3A_424 : f32 to vector<16xf32>
      %sub3A_426 = arith.subf %abs3A_416, %sub3A_425 : vector<16xf32>
      %select_n3A_427 = arith.select %lt3A_419, %mul3A_423, %sub3A_426 : vector<16xi1>, vector<16xf32>
      %sub3A_428 = arith.subf %gather3A_408, %gather3A_414 : vector<16xf32>
      %abs3A_429 = math.absf %sub3A_428 : vector<16xf32>
      %lt3A_430 = arith.constant 1.000000e+00 : f32
      %lt3A_431 = vector.broadcast %lt3A_430 : f32 to vector<16xf32>
      %lt3A_432 = arith.cmpf olt, %abs3A_429, %lt3A_431 : vector<16xf32>
      %mul3A_433 = arith.constant 5.000000e-01 : f32
      %mul3A_434 = vector.broadcast %mul3A_433 : f32 to vector<16xf32>
      %mul3A_435 = arith.mulf %mul3A_434, %sub3A_428 : vector<16xf32>
      %mul3A_436 = arith.mulf %mul3A_435, %sub3A_428 : vector<16xf32>
      %sub3A_437 = arith.constant 5.000000e-01 : f32
      %sub3A_438 = vector.broadcast %sub3A_437 : f32 to vector<16xf32>
      %sub3A_439 = arith.subf %abs3A_429, %sub3A_438 : vector<16xf32>
      %select_n3A_440 = arith.select %lt3A_432, %mul3A_436, %sub3A_439 : vector<16xi1>, vector<16xf32>
      %add3A_441 = arith.addf %select_n3A_427, %select_n3A_440 : vector<16xf32>
      %add3A_442 = arith.addf %scan3A_195, %add3A_441 : vector<16xf32>
      scf.yield %add3A_253, %add3A_316, %add3A_379, %add3A_442 : vector<16xf32>, vector<16xf32>, vector<16xf32>, vector<16xf32>
    }
    %scan3A_167 = arith.constant 16 : i32
    %add3A_168 = arith.addf %scan3A_166#0, %scan3A_166#1 : vector<16xf32>
    %add3A_169 = arith.addf %add3A_168, %scan3A_166#2 : vector<16xf32>
    %add3A_170 = arith.addf %add3A_169, %scan3A_166#3 : vector<16xf32>
    %scan3A_171 = arith.constant 0 : i32
    %scan3A_172 = arith.constant 8 : i32
    %scan3A_173 = arith.addi %scan3A_171, %scan3A_172 : i32
    %scan3A_174 = arith.constant 1 : i32
    %scan3A_175:4 = scf.for %scan3A_191 = %scan3A_171 to %scan3A_173 step %scan3A_174 iter_args(%scan3A_192 = %broadcast_in_dim3A_147, %scan3A_193 = %broadcast_in_dim3A_149, %scan3A_194 = %broadcast_in_dim3A_151, %scan3A_195 = %broadcast_in_dim3A_153) -> (vector<16xf32>, vector<16xf32>, vector<16xf32>, vector<16xf32>)  : i32 {
      %mul3A_196 = arith.constant 512 : i32
      %mul3A_197 = arith.muli %mul3A_196, %arg0 : i32
      %mul3A_198 = arith.constant 64 : i32
      %mul3A_199 = arith.muli %scan3A_191, %mul3A_198 : i32
      %add3A_200 = arith.addi %mul3A_197, %mul3A_199 : i32
      %add3A_201 = arith.constant 0 : i32
      %add3A_202 = arith.addi %add3A_200, %add3A_201 : i32
      %add3A_203 = vector.broadcast %add3A_202 : i32 to vector<16xi32>
      %add3A_204 = arith.addi %add3A_203, %iota3A : vector<16xi32>
      %broadcast_in_dim3A_205 = arith.constant 0 : i32
      %broadcast_in_dim3A_206 = vector.broadcast %broadcast_in_dim3A_205 : i32 to vector<16xi32>
      %gather3A = tpu.vector_load_idx %arg19[%add3A_204, %broadcast_in_dim3A_206] : memref<1024x3xi32, #tpu.memory_space<vmem>>[vector<16xi32>, vector<16xi32>], vector<16xi32>,
      %broadcast_in_dim3A_207 = arith.constant 1 : i32
      %broadcast_in_dim3A_208 = vector.broadcast %broadcast_in_dim3A_207 : i32 to vector<16xi32>
      %gather3A_209 = tpu.vector_load_idx %arg19[%add3A_204, %broadcast_in_dim3A_208] : memref<1024x3xi32, #tpu.memory_space<vmem>>[vector<16xi32>, vector<16xi32>], vector<16xi32>,
      %broadcast_in_dim3A_210 = arith.constant 2 : i32
      %broadcast_in_dim3A_211 = vector.broadcast %broadcast_in_dim3A_210 : i32 to vector<16xi32>
      %gather3A_212 = tpu.vector_load_idx %arg19[%add3A_204, %broadcast_in_dim3A_211] : memref<1024x3xi32, #tpu.memory_space<vmem>>[vector<16xi32>, vector<16xi32>], vector<16xi32>,
      %gather3A_213 = tpu.vector_load_idx %arg14[%gather3A_209, %gather3A, %gather3A_212] : memref<10x10x10xf32, #tpu.memory_space<vmem>>[vector<16xi32>, vector<16xi32>, vector<16xi32>], vector<16xf32>,
      %get3A = arith.index_cast %add3A_202 : i32 to index
      %get3A_214 = tpu.vector_load %arg20[%get3A] {strides = array<i32>} : memref<1024xf32, #tpu.memory_space<vmem>>, vector<16xf32>,
      %sub3A = arith.subf %gather3A_213, %get3A_214 : vector<16xf32>
      %abs3A = math.absf %sub3A : vector<16xf32>
      %lt3A = arith.constant 1.000000e+00 : f32
      %lt3A_215 = vector.broadcast %lt3A : f32 to vector<16xf32>
      %lt3A_216 = arith.cmpf olt, %abs3A, %lt3A_215 : vector<16xf32>
      %mul3A_217 = arith.constant 5.000000e-01 : f32
      %mul3A_218 = vector.broadcast %mul3A_217 : f32 to vector<16xf32>
      %mul3A_219 = arith.mulf %mul3A_218, %sub3A : vector<16xf32>
      %mul3A_220 = arith.mulf %mul3A_219, %sub3A : vector<16xf32>
      %sub3A_221 = arith.constant 5.000000e-01 : f32
      %sub3A_222 = vector.broadcast %sub3A_221 : f32 to vector<16xf32>
      %sub3A_223 = arith.subf %abs3A, %sub3A_222 : vector<16xf32>
      %select_n3A = arith.select %lt3A_216, %mul3A_220, %sub3A_223 : vector<16xi1>, vector<16xf32>
      %add3A_224 = arith.addf %scan3A_192, %select_n3A : vector<16xf32>
      %mul3A_225 = arith.constant 512 : i32
      %mul3A_226 = arith.muli %mul3A_225, %arg0 : i32
      %mul3A_227 = arith.constant 64 : i32
      %mul3A_228 = arith.muli %scan3A_191, %mul3A_227 : i32
      %add3A_229 = arith.addi %mul3A_226, %mul3A_228 : i32
      %add3A_230 = arith.constant 16 : i32
      %add3A_231 = arith.addi %add3A_229, %add3A_230 : i32
      %add3A_232 = vector.broadcast %add3A_231 : i32 to vector<16xi32>
      %add3A_233 = arith.addi %add3A_232, %iota3A : vector<16xi32>
      %broadcast_in_dim3A_234 = arith.constant 0 : i32
      %broadcast_in_dim3A_235 = vector.broadcast %broadcast_in_dim3A_234 : i32 to vector<16xi32>
      %gather3A_236 = tpu.vector_load_idx %arg19[%add3A_233, %broadcast_in_dim3A_235] : memref<1024x3xi32, #tpu.memory_space<vmem>>[vector<16xi32>, vector<16xi32>], vector<16xi32>,
      %broadcast_in_dim3A_237 = arith.constant 1 : i32
      %broadcast_in_dim3A_238 = vector.broadcast %broadcast_in_dim3A_237 : i32 to vector<16xi32>
      %gather3A_239 = tpu.vector_load_idx %arg19[%add3A_233, %broadcast_in_dim3A_238] : memref<1024x3xi32, #tpu.memory_space<vmem>>[vector<16xi32>, vector<16xi32>], vector<16xi32>,
      %broadcast_in_dim3A_240 = arith.constant 2 : i32
      %broadcast_in_dim3A_241 = vector.broadcast %broadcast_in_dim3A_240 : i32 to vector<16xi32>
      %gather3A_242 = tpu.vector_load_idx %arg19[%add3A_233, %broadcast_in_dim3A_241] : memref<1024x3xi32, #tpu.memory_space<vmem>>[vector<16xi32>, vector<16xi32>], vector<16xi32>,
      %gather3A_243 = tpu.vector_load_idx %arg14[%gather3A_239, %gather3A_236, %gather3A_242] : memref<10x10x10xf32, #tpu.memory_space<vmem>>[vector<16xi32>, vector<16xi32>, vector<16xi32>], vector<16xf32>,
      %get3A_244 = arith.index_cast %add3A_231 : i32 to index
      %get3A_245 = tpu.vector_load %arg20[%get3A_244] {strides = array<i32>} : memref<1024xf32, #tpu.memory_space<vmem>>, vector<16xf32>,
      %sub3A_246 = arith.subf %gather3A_243, %get3A_245 : vector<16xf32>
      %abs3A_247 = math.absf %sub3A_246 : vector<16xf32>
      %lt3A_248 = arith.constant 1.000000e+00 : f32
      %lt3A_249 = vector.broadcast %lt3A_248 : f32 to vector<16xf32>
      %lt3A_250 = arith.cmpf olt, %abs3A_247, %lt3A_249 : vector<16xf32>
      %mul3A_251 = arith.constant 5.000000e-01 : f32
      %mul3A_252 = vector.broadcast %mul3A_251 : f32 to vector<16xf32>
      %mul3A_253 = arith.mulf %mul3A_252, %sub3A_246 : vector<16xf32>
      %mul3A_254 = arith.mulf %mul3A_253, %sub3A_246 : vector<16xf32>
      %sub3A_255 = arith.constant 5.000000e-01 : f32
      %sub3A_256 = vector.broadcast %sub3A_255 : f32 to vector<16xf32>
      %sub3A_257 = arith.subf %abs3A_247, %sub3A_256 : vector<16xf32>
      %select_n3A_258 = arith.select %lt3A_250, %mul3A_254, %sub3A_257 : vector<16xi1>, vector<16xf32>
      %add3A_259 = arith.addf %scan3A_193, %select_n3A_258 : vector<16xf32>
      %mul3A_260 = arith.constant 512 : i32
      %mul3A_261 = arith.muli %mul3A_260, %arg0 : i32
      %mul3A_262 = arith.constant 64 : i32
      %mul3A_263 = arith.muli %scan3A_191, %mul3A_262 : i32
      %add3A_264 = arith.addi %mul3A_261, %mul3A_263 : i32
      %add3A_265 = arith.constant 32 : i32
      %add3A_266 = arith.addi %add3A_264, %add3A_265 : i32
      %add3A_267 = vector.broadcast %add3A_266 : i32 to vector<16xi32>
      %add3A_268 = arith.addi %add3A_267, %iota3A : vector<16xi32>
      %broadcast_in_dim3A_269 = arith.constant 0 : i32
      %broadcast_in_dim3A_270 = vector.broadcast %broadcast_in_dim3A_269 : i32 to vector<16xi32>
      %gather3A_271 = tpu.vector_load_idx %arg19[%add3A_268, %broadcast_in_dim3A_270] : memref<1024x3xi32, #tpu.memory_space<vmem>>[vector<16xi32>, vector<16xi32>], vector<16xi32>,
      %broadcast_in_dim3A_272 = arith.constant 1 : i32
      %broadcast_in_dim3A_273 = vector.broadcast %broadcast_in_dim3A_272 : i32 to vector<16xi32>
      %gather3A_274 = tpu.vector_load_idx %arg19[%add3A_268, %broadcast_in_dim3A_273] : memref<1024x3xi32, #tpu.memory_space<vmem>>[vector<16xi32>, vector<16xi32>], vector<16xi32>,
      %broadcast_in_dim3A_275 = arith.constant 2 : i32
      %broadcast_in_dim3A_276 = vector.broadcast %broadcast_in_dim3A_275 : i32 to vector<16xi32>
      %gather3A_277 = tpu.vector_load_idx %arg19[%add3A_268, %broadcast_in_dim3A_276] : memref<1024x3xi32, #tpu.memory_space<vmem>>[vector<16xi32>, vector<16xi32>], vector<16xi32>,
      %gather3A_278 = tpu.vector_load_idx %arg14[%gather3A_274, %gather3A_271, %gather3A_277] : memref<10x10x10xf32, #tpu.memory_space<vmem>>[vector<16xi32>, vector<16xi32>, vector<16xi32>], vector<16xf32>,
      %get3A_279 = arith.index_cast %add3A_266 : i32 to index
      %get3A_280 = tpu.vector_load %arg20[%get3A_279] {strides = array<i32>} : memref<1024xf32, #tpu.memory_space<vmem>>, vector<16xf32>,
      %sub3A_281 = arith.subf %gather3A_278, %get3A_280 : vector<16xf32>
      %abs3A_282 = math.absf %sub3A_281 : vector<16xf32>
      %lt3A_283 = arith.constant 1.000000e+00 : f32
      %lt3A_284 = vector.broadcast %lt3A_283 : f32 to vector<16xf32>
      %lt3A_285 = arith.cmpf olt, %abs3A_282, %lt3A_284 : vector<16xf32>
      %mul3A_286 = arith.constant 5.000000e-01 : f32
      %mul3A_287 = vector.broadcast %mul3A_286 : f32 to vector<16xf32>
      %mul3A_288 = arith.mulf %mul3A_287, %sub3A_281 : vector<16xf32>
      %mul3A_289 = arith.mulf %mul3A_288, %sub3A_281 : vector<16xf32>
      %sub3A_290 = arith.constant 5.000000e-01 : f32
      %sub3A_291 = vector.broadcast %sub3A_290 : f32 to vector<16xf32>
      %sub3A_292 = arith.subf %abs3A_282, %sub3A_291 : vector<16xf32>
      %select_n3A_293 = arith.select %lt3A_285, %mul3A_289, %sub3A_292 : vector<16xi1>, vector<16xf32>
      %add3A_294 = arith.addf %scan3A_194, %select_n3A_293 : vector<16xf32>
      %mul3A_295 = arith.constant 512 : i32
      %mul3A_296 = arith.muli %mul3A_295, %arg0 : i32
      %mul3A_297 = arith.constant 64 : i32
      %mul3A_298 = arith.muli %scan3A_191, %mul3A_297 : i32
      %add3A_299 = arith.addi %mul3A_296, %mul3A_298 : i32
      %add3A_300 = arith.constant 48 : i32
      %add3A_301 = arith.addi %add3A_299, %add3A_300 : i32
      %add3A_302 = vector.broadcast %add3A_301 : i32 to vector<16xi32>
      %add3A_303 = arith.addi %add3A_302, %iota3A : vector<16xi32>
      %broadcast_in_dim3A_304 = arith.constant 0 : i32
      %broadcast_in_dim3A_305 = vector.broadcast %broadcast_in_dim3A_304 : i32 to vector<16xi32>
      %gather3A_306 = tpu.vector_load_idx %arg19[%add3A_303, %broadcast_in_dim3A_305] : memref<1024x3xi32, #tpu.memory_space<vmem>>[vector<16xi32>, vector<16xi32>], vector<16xi32>,
      %broadcast_in_dim3A_307 = arith.constant 1 : i32
      %broadcast_in_dim3A_308 = vector.broadcast %broadcast_in_dim3A_307 : i32 to vector<16xi32>
      %gather3A_309 = tpu.vector_load_idx %arg19[%add3A_303, %broadcast_in_dim3A_308] : memref<1024x3xi32, #tpu.memory_space<vmem>>[vector<16xi32>, vector<16xi32>], vector<16xi32>,
      %broadcast_in_dim3A_310 = arith.constant 2 : i32
      %broadcast_in_dim3A_311 = vector.broadcast %broadcast_in_dim3A_310 : i32 to vector<16xi32>
      %gather3A_312 = tpu.vector_load_idx %arg19[%add3A_303, %broadcast_in_dim3A_311] : memref<1024x3xi32, #tpu.memory_space<vmem>>[vector<16xi32>, vector<16xi32>], vector<16xi32>,
      %gather3A_313 = tpu.vector_load_idx %arg14[%gather3A_309, %gather3A_306, %gather3A_312] : memref<10x10x10xf32, #tpu.memory_space<vmem>>[vector<16xi32>, vector<16xi32>, vector<16xi32>], vector<16xf32>,
      %get3A_314 = arith.index_cast %add3A_301 : i32 to index
      %get3A_315 = tpu.vector_load %arg20[%get3A_314] {strides = array<i32>} : memref<1024xf32, #tpu.memory_space<vmem>>, vector<16xf32>,
      %sub3A_316 = arith.subf %gather3A_313, %get3A_315 : vector<16xf32>
      %abs3A_317 = math.absf %sub3A_316 : vector<16xf32>
      %lt3A_318 = arith.constant 1.000000e+00 : f32
      %lt3A_319 = vector.broadcast %lt3A_318 : f32 to vector<16xf32>
      %lt3A_320 = arith.cmpf olt, %abs3A_317, %lt3A_319 : vector<16xf32>
      %mul3A_321 = arith.constant 5.000000e-01 : f32
      %mul3A_322 = vector.broadcast %mul3A_321 : f32 to vector<16xf32>
      %mul3A_323 = arith.mulf %mul3A_322, %sub3A_316 : vector<16xf32>
      %mul3A_324 = arith.mulf %mul3A_323, %sub3A_316 : vector<16xf32>
      %sub3A_325 = arith.constant 5.000000e-01 : f32
      %sub3A_326 = vector.broadcast %sub3A_325 : f32 to vector<16xf32>
      %sub3A_327 = arith.subf %abs3A_317, %sub3A_326 : vector<16xf32>
      %select_n3A_328 = arith.select %lt3A_320, %mul3A_324, %sub3A_327 : vector<16xi1>, vector<16xf32>
      %add3A_329 = arith.addf %scan3A_195, %select_n3A_328 : vector<16xf32>
      scf.yield %add3A_224, %add3A_259, %add3A_294, %add3A_329 : vector<16xf32>, vector<16xf32>, vector<16xf32>, vector<16xf32>
    }
    %scan3A_176 = arith.constant 8 : i32
    %add3A_177 = arith.addf %scan3A_175#0, %scan3A_175#1 : vector<16xf32>
    %add3A_178 = arith.addf %add3A_177, %scan3A_175#2 : vector<16xf32>
    %add3A_179 = arith.addf %add3A_178, %scan3A_175#3 : vector<16xf32>
    %swap3A = arith.constant 0 : i32
    %swap3A_180 = arith.index_cast %swap3A : i32 to index
    %swap3A_181 = arith.constant 0 : index
    %swap3A_182 = tpu.vector_load %arg21[%swap3A_180, %swap3A_181] {strides = array<i32>} : memref<3x16xf32, #tpu.memory_space<vmem>>, vector<16xf32>,
    tpu.vector_store %arg21[%swap3A_180, %swap3A_181], %add3A_161 {strides = array<i32>} : memref<3x16xf32, #tpu.memory_space<vmem>>, vector<16xf32>,
    %swap3A_183 = arith.constant 1 : i32
    %swap3A_184 = arith.index_cast %swap3A_183 : i32 to index
    %swap3A_185 = arith.constant 0 : index
    %swap3A_186 = tpu.vector_load %arg21[%swap3A_184, %swap3A_185] {strides = array<i32>} : memref<3x16xf32, #tpu.memory_space<vmem>>, vector<16xf32>,
    tpu.vector_store %arg21[%swap3A_184, %swap3A_185], %add3A_170 {strides = array<i32>} : memref<3x16xf32, #tpu.memory_space<vmem>>, vector<16xf32>,
    %swap3A_187 = arith.constant 2 : i32
    %swap3A_188 = arith.index_cast %swap3A_187 : i32 to index
    %swap3A_189 = arith.constant 0 : index
    %swap3A_190 = tpu.vector_load %arg21[%swap3A_188, %swap3A_189] {strides = array<i32>} : memref<3x16xf32, #tpu.memory_space<vmem>>, vector<16xf32>,
    tpu.vector_store %arg21[%swap3A_188, %swap3A_189], %add3A_179 {strides = array<i32>} : memref<3x16xf32, #tpu.memory_space<vmem>>, vector<16xf32>,
    "tpu.region"() ({
      %run_scoped3A = tpu.sem_alloc : memref<!tpu.dma_semaphore, #tpu.memory_space<semaphore_mem>>
      %dma_start3A_191 = arith.constant 0 : i32
      %dma_start3A_192 = arith.constant 0 : i32
      %dma_start3A_193 = tpu.memref_slice %arg11[%add3A, %dma_start3A_191, %dma_start3A_192] : memref<32x3x16xf32, #tpu.memory_space<hbm>> -> memref<1x3x16xf32, #tpu.memory_space<hbm>>
      %dma_start3A_194 = tpu.memref_squeeze %dma_start3A_193 : memref<1x3x16xf32, #tpu.memory_space<hbm>> -> memref<3x16xf32, #tpu.memory_space<hbm>>
      %dma_start3A_195 = arith.constant 0 : i32
      %dma_start3A_196 = arith.constant 0 : i32
      %dma_start3A_197 = tpu.memref_slice %arg11[%add3A, %dma_start3A_195, %dma_start3A_196] : memref<32x3x16xf32, #tpu.memory_space<hbm>> -> memref<1x3x16xf32, #tpu.memory_space<hbm>>
      %dma_start3A_198 = tpu.memref_squeeze %dma_start3A_197 : memref<1x3x16xf32, #tpu.memory_space<hbm>> -> memref<3x16xf32, #tpu.memory_space<hbm>>
      tpu.enqueue_dma source(%arg21 : memref<3x16xf32, #tpu.memory_space<vmem>>) target(%dma_start3A_198 : memref<3x16xf32, #tpu.memory_space<hbm>>) target_semaphore(%run_scoped3A : memref<!tpu.dma_semaphore, #tpu.memory_space<semaphore_mem>>)
      %dma_wait3A_199 = arith.constant 0 : i32
      %dma_wait3A_200 = arith.constant 0 : i32
      %dma_wait3A_201 = tpu.memref_slice %arg11[%add3A, %dma_wait3A_199, %dma_wait3A_200] : memref<32x3x16xf32, #tpu.memory_space<hbm>> -> memref<1x3x16xf32, #tpu.memory_space<hbm>>
      %dma_wait3A_202 = tpu.memref_squeeze %dma_wait3A_201 : memref<1x3x16xf32, #tpu.memory_space<hbm>> -> memref<3x16xf32, #tpu.memory_space<hbm>>
      %dma_wait3A_203 = arith.constant 0 : i32
      %dma_wait3A_204 = arith.constant 0 : i32
      %dma_wait3A_205 = tpu.memref_slice %arg11[%add3A, %dma_wait3A_203, %dma_wait3A_204] : memref<32x3x16xf32, #tpu.memory_space<hbm>> -> memref<1x3x16xf32, #tpu.memory_space<hbm>>
      %dma_wait3A_206 = tpu.memref_squeeze %dma_wait3A_205 : memref<1x3x16xf32, #tpu.memory_space<hbm>> -> memref<3x16xf32, #tpu.memory_space<hbm>>
      tpu.wait_dma2 semaphore(%run_scoped3A : memref<!tpu.dma_semaphore, #tpu.memory_space<semaphore_mem>>) src(%arg21 : memref<3x16xf32, #tpu.memory_space<vmem>>) dst(%dma_wait3A_206 : memref<3x16xf32, #tpu.memory_space<hbm>>)
      tpu.yield
    }) : () -> ()
    return
  }
}

module attributes {stable_mosaic.version = 14 : i64} {
  func.func @_reduce_body(%arg0: memref<32x3x16xf32, #tpu.memory_space<vmem>>, %arg1: memref<1x1xf32, #tpu.memory_space<vmem>>, %arg2: memref<1x1xf32, #tpu.memory_space<vmem>>, %arg3: memref<1x1xf32, #tpu.memory_space<vmem>>, %arg4: memref<1x1xf32, #tpu.memory_space<vmem>>) attributes {dimension_semantics = [], scalar_prefetch = 0 : i64, scratch_operands = 0 : i64, tpu.core_type = #tpu.core_type<tc>} {
    %get3A = arith.constant 0 : index
    %get3A_0 = arith.constant 0 : index
    %get3A_1 = arith.constant 0 : index
    %get3A_2 = vector.load %arg0[%get3A, %get3A_0, %get3A_1] : memref<32x3x16xf32, #tpu.memory_space<vmem>>, vector<32x3x16xf32>
    %slice3A = vector.extract_strided_slice %get3A_2 {offsets = [0, 0, 0], sizes = [32, 1, 16], strides = [1, 1, 1]} : vector<32x3x16xf32> to vector<32x1x16xf32>
    %squeeze3A = vector.shape_cast %slice3A : vector<32x1x16xf32> to vector<32x16xf32>
    %reduce_sum3A = vector.shape_cast %squeeze3A : vector<32x16xf32> to vector<1x32x16xf32>
    %reduce_sum3A_3 = arith.constant dense<0.000000e+00> : vector<1xf32>
    %reduce_sum3A_4 = vector.multi_reduction <add>, %reduce_sum3A, %reduce_sum3A_3 [1, 2] : vector<1x32x16xf32> to vector<1xf32>
    %reduce_sum3A_5 = vector.shape_cast %reduce_sum3A_4 : vector<1xf32> to vector<1x1x1xf32>
    %reduce_sum3A_6 = vector.extract %reduce_sum3A_5[0, 0, 0] : f32 from vector<1x1x1xf32>
    %mul3A = arith.constant 1.52587891E-5 : f32
    %mul3A_7 = arith.mulf %reduce_sum3A_6, %mul3A : f32
    %slice3A_8 = vector.extract_strided_slice %get3A_2 {offsets = [0, 1, 0], sizes = [32, 1, 16], strides = [1, 1, 1]} : vector<32x3x16xf32> to vector<32x1x16xf32>
    %squeeze3A_9 = vector.shape_cast %slice3A_8 : vector<32x1x16xf32> to vector<32x16xf32>
    %reduce_sum3A_10 = vector.shape_cast %squeeze3A_9 : vector<32x16xf32> to vector<1x32x16xf32>
    %reduce_sum3A_11 = arith.constant dense<0.000000e+00> : vector<1xf32>
    %reduce_sum3A_12 = vector.multi_reduction <add>, %reduce_sum3A_10, %reduce_sum3A_11 [1, 2] : vector<1x32x16xf32> to vector<1xf32>
    %reduce_sum3A_13 = vector.shape_cast %reduce_sum3A_12 : vector<1xf32> to vector<1x1x1xf32>
    %reduce_sum3A_14 = vector.extract %reduce_sum3A_13[0, 0, 0] : f32 from vector<1x1x1xf32>
    %mul3A_15 = arith.constant 1.52587891E-5 : f32
    %mul3A_16 = arith.mulf %reduce_sum3A_14, %mul3A_15 : f32
    %slice3A_17 = vector.extract_strided_slice %get3A_2 {offsets = [0, 2, 0], sizes = [32, 1, 16], strides = [1, 1, 1]} : vector<32x3x16xf32> to vector<32x1x16xf32>
    %squeeze3A_18 = vector.shape_cast %slice3A_17 : vector<32x1x16xf32> to vector<32x16xf32>
    %reduce_sum3A_19 = vector.shape_cast %squeeze3A_18 : vector<32x16xf32> to vector<1x32x16xf32>
    %reduce_sum3A_20 = arith.constant dense<0.000000e+00> : vector<1xf32>
    %reduce_sum3A_21 = vector.multi_reduction <add>, %reduce_sum3A_19, %reduce_sum3A_20 [1, 2] : vector<1x32x16xf32> to vector<1xf32>
    %reduce_sum3A_22 = vector.shape_cast %reduce_sum3A_21 : vector<1xf32> to vector<1x1x1xf32>
    %reduce_sum3A_23 = vector.extract %reduce_sum3A_22[0, 0, 0] : f32 from vector<1x1x1xf32>
    %mul3A_24 = arith.constant 6.10351563E-5 : f32
    %mul3A_25 = arith.mulf %reduce_sum3A_23, %mul3A_24 : f32
    %mul3A_26 = arith.constant 1.000000e+00 : f32
    %mul3A_27 = arith.mulf %mul3A_26, %mul3A_16 : f32
    %add3A = arith.addf %mul3A_7, %mul3A_27 : f32
    %mul3A_28 = arith.constant 2.000000e+00 : f32
    %mul3A_29 = arith.mulf %mul3A_28, %mul3A_25 : f32
    %add3A_30 = arith.addf %add3A, %mul3A_29 : f32
    %reshape3A = vector.broadcast %add3A_30 : f32 to vector<1x1xf32>
    %swap3A = arith.constant 0 : index
    %swap3A_31 = arith.constant 0 : index
    %swap3A_32 = vector.load %arg1[%swap3A, %swap3A_31] : memref<1x1xf32, #tpu.memory_space<vmem>>, vector<1x1xf32>
    tpu.vector_store %arg1[%swap3A, %swap3A_31], %reshape3A {strides = array<i32>} : memref<1x1xf32, #tpu.memory_space<vmem>>, vector<1x1xf32>,
    %reshape3A_33 = vector.broadcast %mul3A_7 : f32 to vector<1x1xf32>
    %swap3A_34 = arith.constant 0 : index
    %swap3A_35 = arith.constant 0 : index
    %swap3A_36 = vector.load %arg2[%swap3A_34, %swap3A_35] : memref<1x1xf32, #tpu.memory_space<vmem>>, vector<1x1xf32>
    tpu.vector_store %arg2[%swap3A_34, %swap3A_35], %reshape3A_33 {strides = array<i32>} : memref<1x1xf32, #tpu.memory_space<vmem>>, vector<1x1xf32>,
    %reshape3A_37 = vector.broadcast %mul3A_16 : f32 to vector<1x1xf32>
    %swap3A_38 = arith.constant 0 : index
    %swap3A_39 = arith.constant 0 : index
    %swap3A_40 = vector.load %arg3[%swap3A_38, %swap3A_39] : memref<1x1xf32, #tpu.memory_space<vmem>>, vector<1x1xf32>
    tpu.vector_store %arg3[%swap3A_38, %swap3A_39], %reshape3A_37 {strides = array<i32>} : memref<1x1xf32, #tpu.memory_space<vmem>>, vector<1x1xf32>,
    %reshape3A_41 = vector.broadcast %mul3A_25 : f32 to vector<1x1xf32>
    %swap3A_42 = arith.constant 0 : index
    %swap3A_43 = arith.constant 0 : index
    %swap3A_44 = vector.load %arg4[%swap3A_42, %swap3A_43] : memref<1x1xf32, #tpu.memory_space<vmem>>, vector<1x1xf32>
    tpu.vector_store %arg4[%swap3A_42, %swap3A_43], %reshape3A_41 {strides = array<i32>} : memref<1x1xf32, #tpu.memory_space<vmem>>, vector<1x1xf32>,
    return
  }
}

</mosaic_0001>

<sc_bundles>
// kernel: kernel.4.cloned.1.call-start
scs
__scs_entry_jumppad:
0x0: {  	(pc) =	sbr.rel $0x88, $3  }
0x1: {  	(tag) =	ssettag $0x0;
	lr =	simm.s32 $0x1  }
0x2: {  	[smem:$0x3F98] =	sst lr;
	_ =	strace $0xD0000000  }
0x3: {  	_ = 	snop  }
0x4: {  	_ = 	snop  }
0x5: {  	_ = 	snop  }
0x6: {  	_ = 	snop  }
0x7: {  	_ = 	snop  }
__scs_overlays_trampoline_lowered:
0x8: {  	[smem:$0x3FA7] =	sst s0  }
0x9: {  	[smem:$0x3FA8] =	sst s1  }
0xa: {  	[smem:$0x3FA9] =	sst s2  }
0xb: {  	[smem:$0x3FAA] =	sst s3  }
0xc: {  	[smem:$0x3FAB] =	sst s4  }
0xd: {  	[smem:$0x3FAC] =	sst s5  }
0xe: {  	[smem:$0x3FAD] =	sst s6  }
0xf: {  	[smem:$0x3FAE] =	sst s7  }
0x10: {  	[smem:$0x3FAF] =	sst s8  }
0x11: {  	[smem:$0x3FB0] =	sst s9;
	s0 =	simm.s32 @!p0 $0x0  }
0x12: {  	s1 =	sld [smem:$0x3F96];
	s0 =	simm.s32 @p0 $0x1  }
0x13: {  	[smem:$0x3FB1] =	sst s0;
	s0 =	simm.s32 @!p1 $0x0  }
0x14: {  	s2 =	sld [smem:$0x3F95];
	s0 =	simm.s32 @p1 $0x1  }
0x15: {  	[smem:$0x3FB2] =	sst s0;
	s0 =	simm.s32 @!p2 $0x0  }
0x16: {  	s3 =	sld [smem:$0x3FDB];
	s0 =	simm.s32 @p2 $0x1  }
0x17: {  	s4 =	simm.s32 $0x1BF5;
	[smem:$0x3FB4] =	sst s0  }
0x18: {  	s0 =	sld [smem:$0x3F97];
	_ =	swait.ge [sflag:s4], $0x0  }
0x19: {  	s7 =	sld [smem:$0x3F98]  }
0x1a: {  	s8 =	sadd.s32 $0xFFFFE003, lr  }
0x1b: {  	s9 =	sadd.s32 $0xFFFFFEF7, lr;
	s5 =	simm.s32 $0xFFFFFFFF;
	p2 =	slt.u32 s8, $0xFFFFF086  }
0x1c: {  	p1 =	slt.u32 s9, $0xF7A;
	s5 =	simm.s32 @!p2 $0x0  }
0x1d: {  	s5 =	simm.s32 @p1 $0x1;
	p0 =	seq.s32 s7, s2  }
0x1e: {  	s7 =	smul.u32 @!p0 $0xF7A, s2;
	p2 =	seq.s32 @!p0 s5, $0x0  }
0x1f: {  	s9 =	smul.u32 $0xF7A, s1;
	s8 =	simm.s32 @!p0 $0x1BF5;
	p2 =	por !p2, p0  }
0x20: {  	[sflag:s8] =	ssyncset.s32 @!p0 $0xFFFFF086;
	s6 =	sadd.s32 @!p0 s3, s7;
	s7 =	simm.s32 @!p0 $0x108  }
0x21: {  	s3 =	sadd.s32 s3, s9;
	s6 =	sadd.s32 @!p0 $0x88, s6;
	s7 =	simm.s32 @p2 $0x1082  }
0x22: {  	[simem:s7], [sflag:s8] =	dma.local @!p0 [hbm:s6], $0xF7A  }
0x23: {  	s9 =	sor.u32 $0xD0000000, s2;
	s6 =	simm.s32 $0x108;
	_ =	swait.ge @!p0 [sflag:s8], $0x0  }
0x24: {  	s3 =	sadd.s32 $0x88, s3;
	s6 =	simm.s32 @!p1 $0x1082;
	[sflag:s4] =	ssyncset.s32 $0xFFFFF086  }
0x25: {  	[simem:s6], [sflag:s4] =	dma.local [hbm:s3], $0xF7A  }
0x26: {  	[smem:$0x3F98] =	sst s1;
	(tag) =	ssettag s2;
	_ =	strace s9  }
0x27: {  	s1 =	sld [smem:$0x3FA8]  }
0x28: {  	s2 =	sld [smem:$0x3FA9]  }
0x29: {  	s4 =	sld [smem:$0x3FAB]  }
0x2a: {  	p0 =	seq.s32 s5, $0x0;
	s5 =	sld [smem:$0x3FAC]  }
0x2b: {  	s6 =	sld [smem:$0x3FAD]  }
0x2c: {  	s7 =	sld [smem:$0x3FAE]  }
0x2d: {  	s3 =	simm.s32 $0x108;
	s8 =	sld [smem:$0x3FAF]  }
0x2e: {  	s3 =	simm.s32 @!p0 $0x1082;
	s9 =	sld [smem:$0x3FB0]  }
0x2f: {  	lr =	sadd.s32 s0, s3;
	s0 =	sld [smem:$0x3FA7]  }
0x30: {  	s3 =	sld [smem:$0x3FAA]  }
0x31: {  	[smem:$0x3FB3] =	sst s10  }
0x32: {  	s10 =	sld [smem:$0x3FB1];
	_ =	sdelay $0x3  }
0x33: {  	p0 =	seq.s32 s10, $0x1;
	s10 =	sld [smem:$0x3FB3];
	_ =	sdelay $0x3  }
0x34: {  	[smem:$0x3FB3] =	sst s10  }
0x35: {  	s10 =	sld [smem:$0x3FB2];
	_ =	sdelay $0x3  }
0x36: {  	p1 =	seq.s32 s10, $0x1;
	s10 =	sld [smem:$0x3FB3];
	_ =	sdelay $0x3  }
0x37: {  	[smem:$0x3FB3] =	sst s10  }
0x38: {  	s10 =	sld [smem:$0x3FB4]  }
0x39: {  	_ = 	snop;
	(pc) =	sbr.ind lr, $3  }
0x3a: {  	_ = 	snop  }
0x3b: {  	_ = 	snop  }
0x3c: {  	p2 =	seq.s32 s10, $0x1;
	s10 =	sld [smem:$0x3FB3]  }
0x3d: {  	_ =	shalt  }
0x3e: {  	_ =	shalt  }
0x3f: {  	_ =	shalt  }
0x40: {  	_ =	shalt  }
0x41: {  	_ =	shalt  }
0x42: {  	_ =	shalt  }
0x43: {  	_ =	shalt  }
0x44: {  	_ =	shalt  }
0x45: {  	_ =	shalt  }
0x46: {  	_ =	shalt  }
0x47: {  	_ =	shalt  }
0x48: {  	_ =	shalt  }
0x49: {  	_ =	shalt  }
0x4a: {  	_ =	shalt  }
0x4b: {  	_ =	shalt  }
0x4c: {  	_ =	shalt  }
0x4d: {  	_ =	shalt  }
0x4e: {  	_ =	shalt  }
0x4f: {  	_ =	shalt  }
0x50: {  	_ =	shalt  }
0x51: {  	_ =	shalt  }
0x52: {  	_ =	shalt  }
0x53: {  	_ =	shalt  }
0x54: {  	_ =	shalt  }
0x55: {  	_ =	shalt  }
0x56: {  	_ =	shalt  }
0x57: {  	_ =	shalt  }
0x58: {  	_ =	shalt  }
0x59: {  	_ =	shalt  }
0x5a: {  	_ =	shalt  }
0x5b: {  	_ =	shalt  }
0x5c: {  	_ =	shalt  }
0x5d: {  	_ =	shalt  }
0x5e: {  	_ =	shalt  }
0x5f: {  	_ =	shalt  }
0x60: {  	_ =	shalt  }
0x61: {  	_ =	shalt  }
0x62: {  	_ =	shalt  }
0x63: {  	_ =	shalt  }
0x64: {  	_ =	shalt  }
0x65: {  	_ =	shalt  }
0x66: {  	_ =	shalt  }
0x67: {  	_ =	shalt  }
0x68: {  	_ =	shalt  }
0x69: {  	_ =	shalt  }
0x6a: {  	_ =	shalt  }
0x6b: {  	_ =	shalt  }
0x6c: {  	_ =	shalt  }
0x6d: {  	_ =	shalt  }
0x6e: {  	_ =	shalt  }
0x6f: {  	_ =	shalt  }
0x70: {  	_ =	shalt  }
0x71: {  	_ =	shalt  }
0x72: {  	_ =	shalt  }
0x73: {  	_ =	shalt  }
0x74: {  	_ =	shalt  }
0x75: {  	_ =	shalt  }
0x76: {  	_ =	shalt  }
0x77: {  	_ =	shalt  }
0x78: {  	_ =	shalt  }
0x79: {  	_ =	shalt  }
0x7a: {  	_ =	shalt  }
0x7b: {  	_ =	shalt  }
0x7c: {  	_ =	shalt  }
0x7d: {  	_ =	shalt  }
0x7e: {  	_ =	shalt  }
0x7f: {  	_ =	shalt  }
0x80: {  	_ =	shalt  }
0x81: {  	_ =	shalt  }
0x82: {  	_ =	shalt  }
0x83: {  	_ =	shalt  }
0x84: {  	_ =	shalt  }
0x85: {  	_ =	shalt  }
0x86: {  	_ =	shalt  }
0x87: {  	_ =	shalt  }
.Lfunc_end0:
.L_simem_size_0:
called_computation_lowered:
.L_overlay_start_0:
0x88: {  	s2 =	sld [smem:$0x3FD9]  }
0x89: {  	s3 =	sld [smem:$0x3FFE];
	_ =	sdelay $0x1  }
0x8a: {  	s1 =	srdreg.scid  }
0x8b: {  	s0 =	sand.u32 $0x1, s1  }
0x8c: {  	s16 =	sshll.u32 s0, $0xA;
	s2 =	sadd.s32 s3, s2  }
0x8d: {  	s2 =	sadd.s32 s2, s16  }
0x8e: {  	[smem:$0x3FBF] =	sst s2  }
0x8f: {  	_ = 	snop  }
0x90: {  	(tm) =	ssettm $0x1  }
0x91: {  	s17 =	sld [smem:$0x3FFB];
	_ =	sdelay $0x3  }
0x92: {  	_ =	strace s17  }
0x93: {  	s2 =	sld [smem:$0x3FFC];
	_ =	sdelay $0x3  }
0x94: {  	_ =	strace s2  }
0x95: {  	s2 =	sld [smem:$0x3FFD];
	_ =	sdelay $0x3  }
0x96: {  	_ =	strace s2  }
0x97: {  	_ =	strace $0x8FFFFFFF  }
0x98: {  	s18 =	sld [smem:$0x3FDB];
	_ =	sdelay $0x1  }
0x99: {  	s19 =	simm.s32 $_scs_section_size  }
0x9a: {  	s4 =	simm.s32 $_size__tile_overlayer_lowered;
	s5 =	simm.s32 $_tile_overlayer_lowered  }
0x9b: {  	s22 =	simm.s32 $0x1BFF;
	s21 =	sshll.u32 s5, $0x1;
	s2 =	sadd.s32 s19, s18  }
0x9c: {  	s6 =	simm.s32 $0x0;
	s20 =	sshll.u32 s4, $0x1;
	s4 =	sadd.s32 s21, s2  }
0x9d: {  	[timem:s6], [sflag:s22] =	dma.local [hbm:s4], s20  }
0x9e: {  	_ =	swait.ge [sflag:s22], s20  }
0x9f: {  	s3 =	ssub.s32 $0x0, s20;
	[sflag:s22] =	ssyncset.done $0x0  }
0xa0: {  	[sflag:s22] =	ssyncadd.s32 s3;
	_ =	sdelay $0x1  }
0xa1: {  	s23 =	simm.s32 $0x1B8B  }
0xa2: {  	_ =	swait.ge [sflag:s23], $0x1  }
0xa3: {  	[sflag:s23] =	ssyncset.done $0x0  }
0xa4: {  	s25 =	simm.s32 $0x1B8E;
	s24 =	sld [smem:$0x3FFE];
	[sflag:s23] =	ssyncadd.s32 $0xFFFFFFFF  }
0xa5: {  	s26 =	simm.s32 $execute0_lowered;
	[smem:$0x3FD2] =	sst s25  }
0xa6: {  	s4 =	sshll.u32 s26, $0x1;
	_ =	strace $0x80000046;
	[dreg:$0x1] =	wrdreg $0xFFFFFFFF  }
0xa7: {  	s28 =	simm.s32 $_size_execute0_lowered;
	s2 =	sadd.s32 s2, s4;
	[dreg:$0x0] =	wrdreg $0x0  }
0xa8: {  	s4 =	sshll.u32 s28, $0x1;
	[dreg:$0x2] =	wrdreg s2  }
0xa9: {  	[dreg:$0x3] =	wrdreg s4  }
0xaa: {  	[dreg:$0x4] =	wrdreg $0xC0  }
0xab: {  	_ =	task [dreg:s6], $0x5FFFF  }
0xac: {  	[dreg:$0x1] =	wrdreg $0xFFFFFFFF  }
0xad: {  	[dreg:$0x0] =	wrdreg $0x60  }
0xae: {  	[dreg:$0x2] =	wrdreg s24  }
0xaf: {  	[dreg:$0x3] =	wrdreg $0x9  }
0xb0: {  	_ =	task.clear_ibuf [dreg:s6], $0x4FFFF;
	_ =	strace $0x90000046  }
0xb1: {  	s29 =	simm.s32 $0x9;
	_ =	strace $0x80000048  }
0xb2: {  	_ =	swait.ge [sflag:s29], $0x1  }
0xb3: {  	[sflag:s29] =	ssyncadd.s32 $0xFFFFFFFF  }
0xb4: {  	_ =	strace $0x90000048  }
0xb5: {  	_ =	sfence  }
0xb6: {  	s30 =	sld [smem:$0x0];
	_ =	sdelay $0x2  }
0xb7: {  	s31 =	sshll.u32 s1, $0xD;
	s1 =	sshrl.u32 s1, $0x2  }
0xb8: {  	s3 =	sand.u32 $0x4000, s31;
	s1 =	sadd.s32 s1, s30  }
0xb9: {  	s0 =	sor.u32 s3, s0;
	s1 =	sshll.u32 s1, $0x11  }
0xba: {  	s0 =	sor.u32 s1, s0  }
0xbb: {  	s0 =	sadd.s32 $0x8F2B, s0  }
0xbc: {  	[sflag:s0] =	ssyncadd.remote.s32 $0x1  }
0xbd: {  	_ =	sfence.sel $0xFFFF  }
0xbe: {  	[dreg:$0x0] =	wrdreg $0xFFFFFFFF;
	(pc) =	sbr.abs _section_cstart, $3  }
0xbf: {  	[dreg:$0x1] =	wrdreg $0xFFFFFFFF  }
0xc0: {  	_ =	task.clear_ibuf [dreg:s6], $0x2FFFF;
	_ =	strace $0x9FFFFFFF  }
0xc1: {  	(tm) =	ssettm $0x7FFFFFFF  }
tec
execute0_lowered:
.L_overlay_start_1:
0x0: {  	(tag) =	ssettag $0x1  }
0x1: {  	s0 =	rddreg [dreg:$0x0];
	s8 =	stileid.u32;
	s2 =	simm.s32 $0x0  }
0x2: {  	s19 =	srdreg.scid;
	s28 =	simm.s32 $0x1;
	s30 =	simm.s32 $0x2  }
0x3: {  	s31 =	simm.s32 $0x0;
	s1 =	smul.u32 $0x12C, s8;
	[smem:$0x7FF] =	sst s2  }
0x4: {  	s3 =	smul.u32 $0xC8, s8;
	s4 =	sshll.u32 s8, $0xC;
	s20 =	sshll.u32 s8, $0x9  }
0x5: {  	s14 =	sand.u32 $0x1, s19;
	s21 =	sshll.u32 s8, $0x1;
	s22 =	sshll.u32 s8, $0xB  }
0x6: {  	s23 =	sshll.u32 s8, $0xA;
	s24 =	sshll.u32 s8, $0x7;
	s19 =	simm.s32 $0x960  }
0x7: {  	_ =	strace $0x80000047;
	s6 =	sadd.s32 s4, s0;
	s7 =	sadd.s32 s20, s0  }
0x8: {  	s9 =	sadd.s32 s22, s0;
	s10 =	sadd.s32 s23, s0;
	s25 =	ssub.s32 $0x2, s14  }
0x9: {  	s11 =	sadd.s32 s24, s0;
	s12 =	sshll.u32 s14, $0xB;
	s13 =	sshll.u32 s14, $0xA  }
0xa: {  	s20 =	simm.s32 $0x12C0;
	s23 =	simm.s32 $0xA900;
	s24 =	simm.s32 $0xE900  }
0xb: {  	s1 =	sadd.s32 s1, s0;
	s5 =	sadd.s32 s3, s0;
	s3 =	sor.u32 s14, s21  }
0xc: {  	s26 =	sshrl.u32 s25, $0x1;
	s6 =	sadd.s32 $0x1000, s6;
	s7 =	sadd.s32 $0x28600, s7  }
0xd: {  	s8 =	sadd.s32 $0x19000, s9;
	s9 =	sadd.s32 $0x11000, s9;
	s10 =	sadd.s32 $0x21000, s10  }
0xe: {  	s11 =	sadd.s32 $0x2A600, s11;
	s14 =	sshll.u32 s14, $0x9;
	s29 =	sshrl.u32 s12, $0x2  }
0xf: {  	s17 =	sadd.s32 $0x9920, s12;
	s21 =	simm.s32 $0x1900;
	s3 =	smul.u32 $0x6, s3  }
0x10: {  	s16 =	ssub.s32 s25, s26;
	s4 =	sadd.s32 $0x25000, s1;
	s5 =	sadd.s32 $0x27800, s5  }
0x11: {  	v0 =	vlaneseq.u32;
	s25 =	simm.s32 $0x12900;
	s16 =	smax.u32 s16, $0x1;
	s0 =	sadd.s32 s3, s0  }
0x12: {  	v0 =	vmul.u32 $0x8, v0;
	s3 =	sadd.s32 $0x26400, s1;
	s15 =	sadd.s32 $0x2AE00, s0;
	s0 =	sor.u32 $0x14920, s29  }
.LBB2_1:
0x13: {  	[tilespmem:s2], [sflag:$0x1] =	stream.linear.gather [hbm4b:s3+s2], $0x960, $0x38;
	[tilespmem:$0x14D30] =	vst v63  }
0x14: {  	_ = 	snop  }
0x15: {  	[tilespmem:s19], [sflag:$0x1] =	stream.linear.gather [hbm4b:s4+s2], $0x960, $0x38;
	[tilespmem:$0x14D30] =	vst v63  }
0x16: {  	_ = 	snop  }
0x17: {  	[tilespmem:s20], [sflag:$0x1] =	stream.linear.gather [hbm4b:s5+s2], $0x640, $0x38;
	[tilespmem:$0x14D30] =	vst v63  }
0x18: {  	_ = 	snop  }
0x19: {  	[tilespmem:s21], [sflag:$0x1] =	stream.linear.gather [hbm4b:s6+s2], $0x8000, $0x38;
	[tilespmem:$0x14D30] =	vst v63  }
0x1a: {  	s1 =	simm.s32 $0x9900  }
0x1b: {  	[tilespmem:s1], [sflag:$0x1] =	stream.linear.gather [hbm4b:s7+s2], $0x1000, $0x38;
	[tilespmem:$0x14D30] =	vst v63  }
0x1c: {  	_ = 	snop  }
0x1d: {  	[tilespmem:s23], [sflag:$0x1] =	stream.linear.gather [hbm4b:s8+s2], $0x4000, $0x38;
	[tilespmem:$0x14D30] =	vst v63  }
0x1e: {  	_ = 	snop  }
0x1f: {  	[tilespmem:s24], [sflag:$0x1] =	stream.linear.gather [hbm4b:s9+s2], $0x4000, $0x38;
	[tilespmem:$0x14D30] =	vst v63  }
0x20: {  	_ = 	snop  }
0x21: {  	[tilespmem:s25], [sflag:$0x1] =	stream.linear.gather [hbm4b:s10+s2], $0x2000, $0x38;
	[tilespmem:$0x14D30] =	vst v63  }
0x22: {  	s26 =	simm.s32 $0x14900  }
0x23: {  	[tilespmem:s26], [sflag:$0x1] =	stream.linear.gather [hbm4b:s11+s2], $0x400, $0x38;
	[tilespmem:$0x14D30] =	vst v63  }
0x24: {  	_ =	swait.ge [sflag:s28], $0x960  }
0x25: {  	[sflag:s28] =	ssyncset.done $0x0  }
0x26: {  	[sflag:s28] =	ssyncadd.s32 $0xFFFFF6A0  }
0x27: {  	_ =	swait.ge [sflag:s28], $0x960  }
0x28: {  	[sflag:s28] =	ssyncset.done $0x0  }
0x29: {  	[sflag:s28] =	ssyncadd.s32 $0xFFFFF6A0  }
0x2a: {  	_ =	swait.ge [sflag:s28], $0x640  }
0x2b: {  	[sflag:s28] =	ssyncset.done $0x0  }
0x2c: {  	[sflag:s28] =	ssyncadd.s32 $0xFFFFF9C0  }
0x2d: {  	_ =	swait.ge [sflag:s28], $0x8000  }
0x2e: {  	[sflag:s28] =	ssyncset.done $0x0  }
0x2f: {  	[sflag:s28] =	ssyncadd.s32 $0xFFFF8000  }
0x30: {  	_ =	swait.ge [sflag:s28], $0x1000  }
0x31: {  	[sflag:s28] =	ssyncset.done $0x0  }
0x32: {  	[sflag:s28] =	ssyncadd.s32 $0xFFFFF000  }
0x33: {  	_ =	swait.ge [sflag:s28], $0x4000  }
0x34: {  	[sflag:s28] =	ssyncset.done $0x0  }
0x35: {  	[sflag:s28] =	ssyncadd.s32 $0xFFFFC000  }
0x36: {  	_ =	swait.ge [sflag:s28], $0x4000  }
0x37: {  	s29 =	sadd.s32 $0x0, s12;
	[sflag:s28] =	ssyncset.done $0x0  }
0x38: {  	v1 =	vmov s29;
	[sflag:s28] =	ssyncadd.s32 $0xFFFFC000  }
0x39: {  	v1 =	vshll.u32 v1, $0x3;
	_ =	swait.ge [sflag:s28], $0x2000  }
0x3a: {  	s18 =	sadd.s32 $0x10, s29;
	v1 =	vor.u32 v0, v1;
	[sflag:s28] =	ssyncset.done $0x0  }
0x3b: {  	v2 =	vmov s18;
	v3 =	vor.u32 $0x1, v1;
	[sflag:s28] =	ssyncadd.s32 $0xFFFFE000  }
0x3c: {  	v2 =	vshll.u32 v2, $0x3;
	v4 =	vor.u32 $0x2, v1;
	_ =	swait.ge [sflag:s28], $0x400  }
0x3d: {  	v2 =	vor.u32 v0, v2;
	[sflag:s28] =	ssyncset.done $0x0  }
0x3e: {  	v5 =	vor.u32 $0x1, v2;
	[sflag:s28] =	ssyncadd.s32 $0xFFFFFC00  }
0x3f: {  	v6 =	vor.u32 $0x2, v2;
	v1 =	vld.idx.msk [tilespmem:v1+s21+$0x0], $0xffff  }
0x40: {  	s22 =	sadd.s32 $0x20, s29;
	v3 =	vld.idx.msk [tilespmem:v3+s21+$0x0], $0xffff  }
0x41: {  	v7 =	vmov s22;
	s1 =	sadd.s32 $0x30, s29;
	v4 =	vld.idx.msk [tilespmem:v4+s21+$0x0], $0xffff  }
0x42: {  	v7 =	vshll.u32 v7, $0x3;
	v8 =	vmov s1;
	v2 =	vld.idx.msk [tilespmem:v2+s21+$0x0], $0xffff  }
0x43: {  	v7 =	vor.u32 v0, v7;
	v8 =	vshll.u32 v8, $0x3;
	v5 =	vld.idx.msk [tilespmem:v5+s21+$0x0], $0xffff  }
0x44: {  	v8 =	vor.u32 v0, v8;
	v6 =	vld.idx.msk [tilespmem:v6+s21+$0x0], $0xffff  }
0x45: {  	v9 =	vor.u32 $0x2, v7;
	v10 =	vor.u32 $0x1, v7  }
0x46: {  	v12 =	vor.u32 $0x1, v8;
	v1 =	vmul.u32 $0x18, v1;
	v3 =	vmul.u32 $0xF0, v3  }
0x47: {  	v11 =	vor.u32 $0x2, v8;
	v4 =	vshll.u32 v4, $0x1;
	v2 =	vmul.u32 $0x18, v2  }
0x48: {  	v5 =	vmul.u32 $0xF0, v5;
	v13 =	vand.u32 $0xFFFFFFF8, v4;
	v1 =	vadd.s32 v1, v3;
	v3 =	vld.idx.msk [tilespmem:v7+s21+$0x0], $0xffff  }
0x49: {  	v6 =	vshll.u32 v6, $0x1;
	v4 =	vand.u32 $0x6, v4;
	v7 =	vld.idx.msk [tilespmem:v8+s21+$0x0], $0xffff;
	v1 =	vadd.s32 v13, v1  }
0x4a: {  	v2 =	vadd.s32 v2, v5;
	v1 =	vor.u32 v4, v1;
	v4 =	vld.idx.msk [tilespmem:v10+s21+$0x0], $0xffff;
	v10 =	vand.u32 $0xFFFFFFF8, v6  }
0x4b: {  	v5 =	vld.idx.msk [tilespmem:v12+s21+$0x0], $0xffff;
	v6 =	vand.u32 $0x6, v6;
	v8 =	vor.u32 $0x1, v1;
	v2 =	vadd.s32 v10, v2  }
0x4c: {  	v10 =	vld.idx.msk [tilespmem:v11+s21+$0x0], $0xffff;
	v2 =	vor.u32 v6, v2  }
0x4d: {  	v6 =	vld.idx.msk [tilespmem:v9+s21+$0x0], $0xffff;
	v9 =	vor.u32 $0x1, v2  }
0x4e: {  	v11 =	vld [tilespmem:s17+$0xFFFFFFE0]  }
0x4f: {  	v3 =	vmul.u32 $0x18, v3;
	v1 =	vld.idx.msk [tilespmem:v1+s2+$0x0], $0xffff;
	v4 =	vmul.u32 $0xF0, v4  }
0x50: {  	v7 =	vmul.u32 $0x18, v7;
	v5 =	vmul.u32 $0xF0, v5;
	v8 =	vld.idx.msk [tilespmem:v8+s2+$0x0], $0xffff  }
0x51: {  	v3 =	vadd.s32 v3, v4;
	v4 =	vshll.u32 v10, $0x1;
	v2 =	vld.idx.msk [tilespmem:v2+s2+$0x0], $0xffff  }
0x52: {  	v5 =	vadd.s32 v7, v5;
	v6 =	vshll.u32 v6, $0x1;
	v10 =	vand.u32 $0xFFFFFFF8, v4;
	v7 =	vld.idx.msk [tilespmem:v9+s2+$0x0], $0xffff  }
0x53: {  	v4 =	vand.u32 $0x6, v4;
	v9 =	vand.u32 $0xFFFFFFF8, v6;
	v5 =	vadd.s32 v10, v5;
	v10 =	vld [tilespmem:s17+$0xFFFFFFF0]  }
0x54: {  	v6 =	vand.u32 $0x6, v6;
	v3 =	vadd.s32 v9, v3;
	v4 =	vor.u32 v4, v5  }
0x55: {  	v3 =	vor.u32 v6, v3  }
0x56: {  	v5 =	vor.u32 $0x1, v4;
	v6 =	vsub.f32 v8, v1;
	v1 =	vsub.f32 v1, v8  }
0x57: {  	vm0 =	veq.s32 v11, $0x1;
	v9 =	vor.u32 $0x1, v3;
	v8 =	vsub.f32 v7, v2  }
0x58: {  	v2 =	vsub.f32 v2, v7;
	v1 =	vsel vm0, v6, v1;
	vm6 =	veq.s32 v10, $0x1;
	v10 =	vld [tilespmem:s17+$0x10]  }
0x59: {  	v6 =	vand.u32 $0x7FFFFFFF, v1;
	v4 =	vld.idx.msk [tilespmem:v4+s2+$0x0], $0xffff  }
0x5a: {  	v2 =	vsel vm6, v8, v2;
	v6 =	vsub.f32 $0.0e+00, v6;
	v3 =	vld.idx.msk [tilespmem:v3+s2+$0x0], $0xffff  }
0x5b: {  	v5 =	vld.idx.msk [tilespmem:v5+s2+$0x0], $0xffff;
	v7 =	vand.u32 $0x7FFFFFFF, v2  }
0x5c: {  	v8 =	vld.idx.msk [tilespmem:v9+s2+$0x0], $0xffff;
	v7 =	vsub.f32 $0.0e+00, v7;
	v6 =	vmul.f32 $1.442695020e+00, v6  }
0x5d: {  	s26 =	sadd.s32 $0x40, s12;
	v9 =	vld [tilespmem:s17+$0x0]  }
0x5e: {  	v7 =	vmul.f32 $1.442695020e+00, v7;
	(erf) = vpow2.f32 v6;
	v6 =	vmov s26  }
0x5f: {  	s29 =	sadd.s32 $0x10, s26;
	vm1 =	veq.s32 v10, $0x1;
	v6 =	vshll.u32 v6, $0x3  }
0x60: {  	(erf) = vpow2.f32 v7;
	v7 =	vmov s29;
	v11 =	vsub.f32 v5, v4  }
0x61: {  	v6 =	vor.u32 v0, v6;
	v12 =	vsub.f32 v8, v3;
	v3 =	vsub.f32 v3, v8  }
0x62: {  	v4 =	vsub.f32 v4, v5;
	vm7 =	veq.s32 v9, $0x1;
	v5 =	vor.u32 $0x1, v6  }
0x63: {  	v9 =	vsub.f32 $0.0e+00, v2;
	v7 =	vshll.u32 v7, $0x3;
	v8 =	vor.u32 $0x2, v6  }
0x64: {  	s22 =	sadd.s32 $0x20, s26;
	v7 =	vor.u32 v0, v7;
	v3 =	vsel vm7, v12, v3;
	v2 =	vsel vm1, v11, v4  }
0x65: {  	v11 =	vmov s22;
	v4 =	vand.u32 $0x7FFFFFFF, v3;
	v12 =	vor.u32 $0x1, v7  }
0x66: {  	s1 =	sadd.s32 $0x30, s26;
	s26 =	sadd.s32 $0x80, s12;
	v10 =	vand.u32 $0x7FFFFFFF, v2;
	v11 =	vshll.u32 v11, $0x3;
	v14 =	vor.u32 $0x2, v7;
	v13 =	vld.idx.msk [tilespmem:v6+s21+$0x0], $0xffff  }
0x67: {  	s18 =	sadd.s32 $0x30, s26;
	v10 =	vsub.f32 $0.0e+00, v10;
	v11 =	vor.u32 v0, v11;
	v6 =	vmov s1;
	v5 =	vld.idx.msk [tilespmem:v5+s21+$0x0], $0xffff  }
0x68: {  	v26 =	vmov s18;
	v19 =	vor.u32 $0x2, v11;
	v16 =	vshll.u32 v6, $0x3;
	v8 =	vld.idx.msk [tilespmem:v8+s21+$0x0], $0xffff  }
0x69: {  	v6 =	vsub.f32 $0.0e+00, v2;
	v10 =	vmul.f32 $1.442695020e+00, v10;
	v7 =	vld.idx.msk [tilespmem:v7+s21+$0x0], $0xffff;
	v15 =	vpop (erf);
	v16 =	vor.u32 v0, v16  }
0x6a: {  	v2 =	vsub.f32 $0.0e+00, v4;
	v18 =	vor.u32 $0x1, v16;
	v12 =	vld.idx.msk [tilespmem:v12+s21+$0x0], $0xffff;
	v20 =	vor.u32 $0x2, v16;
	v4 =	vpop (erf)  }
0x6b: {  	v21 =	vsub.f32 $0.0e+00, v15;
	(erf) = vpow2.f32 v10;
	v17 =	vsub.f32 $0.0e+00, v4  }
0x6c: {  	v14 =	vld.idx.msk [tilespmem:v14+s21+$0x0], $0xffff;
	v6 =	vmax.f32 v6, $0.0e+00;
	v13 =	vmul.u32 $0x18, v13;
	v5 =	vmul.u32 $0xF0, v5  }
0x6d: {  	v21 =	vmul.f32 $1.442695020e+00, v21;
	v10 =	vmul.f32 $1.442695020e+00, v17;
	v17 =	vor.u32 $0x1, v11;
	v11 =	vld.idx.msk [tilespmem:v11+s21+$0x0], $0xffff  }
0x6e: {  	v8 =	vshll.u32 v8, $0x1;
	v16 =	vld.idx.msk [tilespmem:v16+s21+$0x0], $0xffff;
	v7 =	vmul.u32 $0x18, v7;
	v5 =	vadd.s32 v13, v5  }
0x6f: {  	v13 =	vld.idx.msk [tilespmem:v18+s21+$0x0], $0xffff;
	v12 =	vmul.u32 $0xF0, v12;
	(erf) = vpow2.f32 v10;
	v10 =	vand.u32 $0xFFFFFFF8, v8  }
0x70: {  	v18 =	vld.idx.msk [tilespmem:v20+s21+$0x0], $0xffff;
	v8 =	vand.u32 $0x6, v8;
	(erf) = vpow2.f32 v21;
	v5 =	vadd.s32 v10, v5  }
0x71: {  	v22 =	vadd.f32 $-1.000000000e+00, v4;
	v14 =	vshll.u32 v14, $0x1;
	v5 =	vor.u32 v8, v5;
	v8 =	vld.idx.msk [tilespmem:v19+s21+$0x0], $0xffff  }
0x72: {  	v10 =	vsub.f32 $0.0e+00, v1;
	v7 =	vadd.s32 v7, v12;
	v19 =	vand.u32 $0xFFFFFFF8, v14;
	v1 =	vld.idx.msk [tilespmem:v17+s21+$0x0], $0xffff  }
0x73: {  	s1 =	sadd.s32 $0x40, s17;
	v12 =	vand.u32 $0x6, v14;
	v17 =	vor.u32 $0x1, v5;
	v7 =	vadd.s32 v19, v7  }
0x74: {  	v24 =	vld [tilespmem:s1+$0xFFFFFFF0];
	s18 =	sadd.s32 $0x40, s1;
	v14 =	vmul.u32 $0x18, v16;
	v7 =	vor.u32 v12, v7;
	v13 =	vmul.u32 $0xF0, v13  }
0x75: {  	v54 =	vld [tilespmem:s18+$0xFFFFFFE0];
	v11 =	vmul.u32 $0x18, v11;
	v16 =	vshll.u32 v18, $0x1;
	v18 =	vor.u32 $0x1, v7  }
0x76: {  	v19 =	vand.u32 $0xFFFFFFF8, v16;
	v13 =	vadd.s32 v14, v13;
	v14 =	vand.u32 $0x6, v16;
	v5 =	vld.idx.msk [tilespmem:v5+s2+$0x0], $0xffff  }
0x77: {  	v20 =	vpop (erf);
	v12 =	vadd.f32 $1.000000000e+00, v15;
	v13 =	vadd.s32 v19, v13;
	v19 =	vld [tilespmem:s1+$0xFFFFFFE0];
	v1 =	vmul.u32 $0xF0, v1  }
0x78: {  	v15 =	vadd.f32 $-1.000000000e+00, v15;
	v8 =	vshll.u32 v8, $0x1;
	v17 =	vld.idx.msk [tilespmem:v17+s2+$0x0], $0xffff;
	v13 =	vor.u32 v14, v13;
	v16 =	vpop (erf)  }
0x79: {  	v7 =	vld.idx.msk [tilespmem:v7+s2+$0x0], $0xffff;
	v1 =	vadd.s32 v11, v1;
	v11 =	vand.u32 $0xFFFFFFF8, v8;
	v14 =	vpop (erf);
	v8 =	vand.u32 $0x6, v8  }
0x7a: {  	v18 =	vld.idx.msk [tilespmem:v18+s2+$0x0], $0xffff;
	v1 =	vadd.s32 v11, v1;
	v11 =	vor.u32 $0x1, v13;
	v21 =	vmul.f32 v14, v12  }
0x7b: {  	vm9 =	veq.s32 v24, $0x1;
	v23 =	vsub.f32 $0.0e+00, v20;
	v8 =	vor.u32 v8, v1  }
0x7c: {  	v14 =	vadd.f32 $1.000000000e+00, v4;
	v4 =	vor.u32 $0x1, v8;
	v21 =	vadd.f32 v21, v15  }
0x7d: {  	vm12 =	veq.s32 v54, $0x1;
	v15 =	vsub.f32 v17, v5;
	v5 =	vsub.f32 v5, v17  }
0x7e: {  	vm8 =	veq.s32 v19, $0x1;
	v13 =	vld.idx.msk [tilespmem:v13+s2+$0x0], $0xffff;
	v17 =	vmul.f32 $1.442695020e+00, v23;
	v19 =	vsub.f32 $0.0e+00, v21  }
0x7f: {  	v16 =	vmul.f32 v16, v14;
	v5 =	vsel vm8, v15, v5;
	v15 =	vsub.f32 v18, v7;
	v11 =	vld.idx.msk [tilespmem:v11+s2+$0x0], $0xffff  }
0x80: {  	(erf) = vpow2.f32 v17;
	v7 =	vsub.f32 v7, v18;
	v8 =	vld.idx.msk [tilespmem:v8+s2+$0x0], $0xffff;
	v17 =	vmul.f32 $1.442695020e+00, v19  }
0x81: {  	v1 =	vimm.f32 $0.0e+00;
	v18 =	vadd.f32 v16, v22;
	v16 =	vand.u32 $0x7FFFFFFF, v5;
	v4 =	vld.idx.msk [tilespmem:v4+s2+$0x0], $0xffff  }
0x82: {  	v22 =	vld [tilespmem:s1+$0x0];
	v16 =	vsub.f32 $0.0e+00, v16;
	v7 =	vsel vm9, v15, v7;
	(erf) = vpow2.f32 v17  }
0x83: {  	v19 =	vld [tilespmem:s1+$0x10];
	v15 =	vsub.f32 $0.0e+00, v3;
	v3 =	vsub.f32 $0.0e+00, v18;
	v17 =	vand.u32 $0x7FFFFFFF, v7  }
0x84: {  	v23 =	vmul.f32 $1.442695020e+00, v2;
	v2 =	vsub.f32 $0.0e+00, v7;
	v7 =	vsub.f32 $0.0e+00, v17  }
0x85: {  	v3 =	vmul.f32 $1.442695020e+00, v3;
	v17 =	vsub.f32 v11, v13;
	v11 =	vsub.f32 v13, v11  }
0x86: {  	v16 =	vmul.f32 $1.442695020e+00, v16;
	v13 =	vsub.f32 v4, v8;
	v8 =	vsub.f32 v8, v4  }
0x87: {  	v5 =	vsub.f32 $0.0e+00, v5;
	v18 =	vadd.f32 $-1.000000000e+00, v18;
	(erf) = vpow2.f32 v3  }
0x88: {  	s29 =	sadd.s32 $0x20, s26;
	vm11 =	veq.s32 v22, $0x1;
	vm10 =	veq.s32 v19, $0x1;
	(erf) = vpow2.f32 v16  }
0x89: {  	v7 =	vmul.f32 $1.442695020e+00, v7;
	v16 =	vadd.f32 $-1.000000000e+00, v21;
	v21 =	vmov s29  }
0x8a: {  	v4 =	vadd.f32 $1.000000000e+00, v20;
	v3 =	vsel vm10, v17, v11;
	v13 =	vsel vm11, v13, v8;
	v8 =	vpop (erf)  }
0x8b: {  	v17 =	vand.u32 $0x7FFFFFFF, v3;
	v3 =	vsub.f32 $0.0e+00, v3;
	v19 =	vpop (erf);
	(erf) = vpow2.f32 v7  }
0x8c: {  	v17 =	vsub.f32 $0.0e+00, v17;
	v11 =	vand.u32 $0x7FFFFFFF, v13;
	v7 =	vmul.f32 v19, v12  }
0x8d: {  	s22 =	sadd.s32 $0x10, s26;
	v11 =	vsub.f32 $0.0e+00, v11;
	v8 =	vmul.f32 v8, v4;
	v19 =	vadd.f32 $-1.000000000e+00, v20  }
0x8e: {  	v17 =	vmul.f32 $1.442695020e+00, v17;
	v20 =	vadd.f32 v7, v16;
	v16 =	vmov s22  }
0x8f: {  	v7 =	vadd.f32 v8, v19;
	v8 =	vmov s26;
	v16 =	vshll.u32 v16, $0x3  }
0x90: {  	(erf) = vpow2.f32 v23;
	v8 =	vshll.u32 v8, $0x3;
	v16 =	vor.u32 v0, v16  }
0x91: {  	v11 =	vmul.f32 $1.442695020e+00, v11;
	v8 =	vor.u32 v0, v8;
	v22 =	vadd.f32 $-1.000000000e+00, v7  }
0x92: {  	v23 =	vpop (erf);
	v24 =	vsub.f32 $0.0e+00, v7;
	v7 =	vshll.u32 v21, $0x3;
	v21 =	vor.u32 $0x2, v8  }
0x93: {  	(erf) = vpow2.f32 v17;
	v25 =	vpop (erf);
	v23 =	vmul.f32 v23, v14;
	v28 =	vor.u32 v0, v7  }
0x94: {  	v36 =	vsub.f32 $0.0e+00, v25;
	v19 =	vsub.f32 $0.0e+00, v20;
	v31 =	vor.u32 $0x1, v8;
	v30 =	vpop (erf)  }
0x95: {  	v27 =	vor.u32 $0x1, v16;
	v29 =	vor.u32 $0x2, v16;
	v33 =	vsub.f32 $0.0e+00, v30;
	v16 =	vld.idx.msk [tilespmem:v16+s21+$0x0], $0xffff  }
0x96: {  	v20 =	vadd.f32 $-1.000000000e+00, v20;
	v18 =	vadd.f32 v23, v18;
	v7 =	vshll.u32 v26, $0x3;
	v8 =	vld.idx.msk [tilespmem:v8+s21+$0x0], $0xffff  }
0x97: {  	v36 =	vmul.f32 $1.442695020e+00, v36;
	v17 =	vor.u32 v0, v7;
	v21 =	vld.idx.msk [tilespmem:v21+s21+$0x0], $0xffff;
	v33 =	vmul.f32 $1.442695020e+00, v33  }
0x98: {  	v26 =	vor.u32 $0x2, v28;
	v24 =	vmul.f32 $1.442695020e+00, v24;
	v35 =	vld.idx.msk [tilespmem:v28+s21+$0x0], $0xffff;
	v28 =	vor.u32 $0x1, v28  }
0x99: {  	v19 =	vmul.f32 $1.442695020e+00, v19;
	v50 =	vadd.f32 $-1.000000000e+00, v18;
	v32 =	vpop (erf);
	v31 =	vld.idx.msk [tilespmem:v31+s21+$0x0], $0xffff;
	(erf) = vpow2.f32 v33  }
0x9a: {  	v29 =	vld.idx.msk [tilespmem:v29+s21+$0x0], $0xffff;
	(erf) = vpow2.f32 v24;
	v24 =	vmul.u32 $0x18, v16;
	v16 =	vsub.f32 $0.0e+00, v32  }
0x9b: {  	v18 =	vsub.f32 $0.0e+00, v18;
	v34 =	vor.u32 $0x2, v17;
	v37 =	vor.u32 $0x1, v17;
	v27 =	vld.idx.msk [tilespmem:v27+s21+$0x0], $0xffff  }
0x9c: {  	v39 =	vadd.f32 $-1.000000000e+00, v30;
	v17 =	vld.idx.msk [tilespmem:v17+s21+$0x0], $0xffff;
	(erf) = vpow2.f32 v19;
	v16 =	vmul.f32 $1.442695020e+00, v16  }
0x9d: {  	v7 =	vadd.f32 $1.000000000e+00, v32;
	v38 =	vadd.f32 $-1.000000000e+00, v32;
	v19 =	vld.idx.msk [tilespmem:v28+s21+$0x0], $0xffff;
	(erf) = vpow2.f32 v36  }
0x9e: {  	v44 =	vmul.u32 $0x18, v8;
	v8 =	vadd.f32 $1.000000000e+00, v30;
	(erf) = vpow2.f32 v16  }
0x9f: {  	v30 =	vmax.f32 v10, $0.0e+00;
	v10 =	vadd.f32 $1.000000000e+00, v25;
	v25 =	vadd.f32 $-1.000000000e+00, v25  }
0xa0: {  	v26 =	vld.idx.msk [tilespmem:v26+s21+$0x0], $0xffff;
	v21 =	vshll.u32 v21, $0x1;
	v28 =	vmul.u32 $0x18, v35;
	v31 =	vmul.u32 $0xF0, v31  }
0xa1: {  	v47 =	vld.idx.msk [tilespmem:v34+s21+$0x0], $0xffff;
	v29 =	vshll.u32 v29, $0x1;
	v27 =	vmul.u32 $0xF0, v27;
	v45 =	vand.u32 $0xFFFFFFF8, v21  }
0xa2: {  	v17 =	vmul.u32 $0x18, v17;
	v31 =	vadd.s32 v44, v31;
	v16 =	vpop (erf);
	v19 =	vmul.u32 $0xF0, v19  }
0xa3: {  	v21 =	vand.u32 $0x6, v21;
	v49 =	vand.u32 $0xFFFFFFF8, v29;
	v31 =	vadd.s32 v45, v31;
	v48 =	vpop (erf)  }
0xa4: {  	v24 =	vadd.s32 v24, v27;
	v21 =	vor.u32 v21, v31;
	v19 =	vadd.s32 v28, v19;
	v28 =	vld.idx.msk [tilespmem:v37+s21+$0x0], $0xffff;
	v23 =	vpop (erf)  }
0xa5: {  	v29 =	vand.u32 $0x6, v29;
	v24 =	vadd.s32 v49, v24;
	v31 =	vor.u32 $0x1, v21;
	v27 =	vpop (erf)  }
0xa6: {  	v26 =	vshll.u32 v26, $0x1;
	v24 =	vor.u32 v29, v24;
	v29 =	vshll.u32 v47, $0x1;
	v51 =	vpop (erf)  }
0xa7: {  	v53 =	vand.u32 $0x6, v26;
	v26 =	vand.u32 $0xFFFFFFF8, v26;
	v40 =	vand.u32 $0x6, v29;
	v52 =	vpop (erf)  }
0xa8: {  	v46 =	vsub.f32 $0.0e+00, v16;
	v34 =	vmul.f32 v48, v8;
	v36 =	vmul.f32 v52, v7  }
0xa9: {  	v19 =	vadd.s32 v26, v19;
	v21 =	vld.idx.msk [tilespmem:v21+s2+$0x0], $0xffff;
	v12 =	vmul.f32 v27, v12;
	v28 =	vmul.u32 $0xF0, v28  }
0xaa: {  	v26 =	vand.u32 $0xFFFFFFF8, v29;
	v23 =	vmul.f32 v23, v4;
	v31 =	vld.idx.msk [tilespmem:v31+s2+$0x0], $0xffff;
	v36 =	vadd.f32 v36, v38  }
0xab: {  	v27 =	vor.u32 $0x1, v24;
	v12 =	vadd.f32 v12, v20;
	v17 =	vadd.s32 v17, v28  }
0xac: {  	v28 =	vor.u32 v53, v19;
	v19 =	vadd.f32 v23, v22;
	v29 =	vsub.f32 $0.0e+00, v36  }
0xad: {  	v33 =	vmul.f32 v51, v10;
	v30 =	vadd.f32 v12, v30;
	v12 =	vsub.f32 $0.0e+00, v13  }
0xae: {  	v17 =	vadd.s32 v26, v17;
	v26 =	vmul.f32 $1.442695020e+00, v18;
	v23 =	vmul.f32 $1.442695020e+00, v29  }
0xaf: {  	v24 =	vld.idx.msk [tilespmem:v24+s2+$0x0], $0xffff;
	v18 =	vadd.f32 v34, v39;
	v55 =	vsub.f32 v31, v21;
	v17 =	vor.u32 v40, v17  }
0xb0: {  	v27 =	vld.idx.msk [tilespmem:v27+s2+$0x0], $0xffff;
	v21 =	vsub.f32 v21, v31;
	v22 =	vor.u32 $0x1, v17;
	(erf) = vpow2.f32 v23  }
0xb1: {  	v32 =	vmul.f32 $1.442695020e+00, v46;
	v31 =	vadd.f32 v33, v25;
	v33 =	vadd.f32 $-1.000000000e+00, v16  }
0xb2: {  	v37 =	vor.u32 $0x1, v28;
	v25 =	vsub.f32 $0.0e+00, v19;
	v13 =	vadd.f32 v30, v1;
	v29 =	vld [tilespmem:s18+$0xFFFFFFF0]  }
0xb3: {  	v30 =	vld [tilespmem:s18+$0x0];
	v21 =	vsel vm12, v55, v21;
	v59 =	vadd.f32 $-1.000000000e+00, v36;
	v62 =	vadd.f32 $-1.000000000e+00, v31  }
0xb4: {  	v20 =	vand.u32 $0x7FFFFFFF, v21;
	v23 =	vsub.f32 $0.0e+00, v31;
	v17 =	vld.idx.msk [tilespmem:v17+s2+$0x0], $0xffff;
	(erf) = vpow2.f32 v32  }
0xb5: {  	v56 =	vmul.f32 $1.442695020e+00, v25;
	v25 =	vsub.f32 v27, v24;
	v58 =	vld.idx.msk [tilespmem:v22+s2+$0x0], $0xffff;
	(erf) = vpow2.f32 v26  }
0xb6: {  	v22 =	vsub.f32 v24, v27;
	v24 =	vld.idx.msk [tilespmem:v28+s2+$0x0], $0xffff;
	v27 =	vsub.f32 $0.0e+00, v18;
	v23 =	vmul.f32 $1.442695020e+00, v23  }
0xb7: {  	v57 =	vsub.f32 $0.0e+00, v20;
	v20 =	vmax.f32 v15, $0.0e+00;
	v26 =	vld.idx.msk [tilespmem:v37+s2+$0x0], $0xffff;
	vm13 =	veq.s32 v29, $0x1  }
0xb8: {  	v28 =	vld [tilespmem:s18+$0x10];
	v27 =	vmul.f32 $1.442695020e+00, v27;
	v22 =	vsel vm13, v25, v22;
	(erf) = vpow2.f32 v23  }
0xb9: {  	v15 =	vmul.f32 $1.442695020e+00, v57;
	v29 =	vand.u32 $0x7FFFFFFF, v22;
	(erf) = vpow2.f32 v56;
	v60 =	vpop (erf)  }
0xba: {  	v23 =	vsub.f32 $0.0e+00, v29;
	(erf) = vpow2.f32 v27;
	v27 =	vmul.f32 v60, v7  }
0xbb: {  	vm15 =	veq.s32 v30, $0x1;
	v29 =	vsub.f32 v58, v17;
	v17 =	vsub.f32 v17, v58  }
0xbc: {  	v25 =	vmax.f32 v9, $0.0e+00;
	v61 =	vsub.f32 v26, v24;
	v24 =	vsub.f32 v24, v26  }
0xbd: {  	v9 =	vsub.f32 $0.0e+00, v22;
	v22 =	vadd.f32 $1.000000000e+00, v16;
	vm14 =	veq.s32 v28, $0x1;
	v28 =	vpop (erf)  }
0xbe: {  	v29 =	vsel vm14, v29, v17;
	v17 =	vsel vm15, v61, v24;
	v26 =	vadd.f32 v27, v59;
	v27 =	vpop (erf)  }
0xbf: {  	(erf) = vpow2.f32 v15;
	v14 =	vmul.f32 v27, v14;
	v27 =	vand.u32 $0x7FFFFFFF, v17  }
0xc0: {  	v16 =	vimm.f32 $0.0e+00;
	v24 =	vsub.f32 $0.0e+00, v26;
	v27 =	vsub.f32 $0.0e+00, v27  }
0xc1: {  	v15 =	vmul.f32 $1.442695020e+00, v23;
	v32 =	vmul.f32 v28, v22;
	v28 =	vand.u32 $0x7FFFFFFF, v29  }
0xc2: {  	v23 =	vsub.f32 $0.0e+00, v29;
	v29 =	vpop (erf);
	v63 =	vmul.f32 $1.442695020e+00, v24;
	v24 =	vsub.f32 $0.0e+00, v28  }
0xc3: {  	(erf) = vpow2.f32 v15;
	v15 =	vmul.f32 v29, v10;
	v29 =	vadd.f32 v14, v50  }
0xc4: {  	v14 =	vimm.f32 $0.0e+00;
	v30 =	vmul.f32 $1.442695020e+00, v27;
	v31 =	vmul.f32 $1.442695020e+00, v24;
	v27 =	vpop (erf)  }
0xc5: {  	s1 =	simm.s32 $0xC0;
	v24 =	vadd.f32 v15, v62;
	(erf) = vpow2.f32 v63;
	v15 =	vimm.f32 $0.0e+00;
	v28 =	vpop (erf)  }
.LBB2_2:
0xc6: {  	s22 =	sadd.s32 s1, s12;
	p0 =	sne.s32 s1, $0x7C0;
	s1 =	sadd.s32 $0x40, s1;
	v32 =	vadd.f32 v32, v33;
	(erf) = vpow2.f32 v11;
	v25 =	vadd.f32 v29, v25;
	v11 =	vmovc v30  }
0xc7: {  	v30 =	vsub.f32 $0.0e+00, v21;
	v29 =	vmov s22;
	s26 =	sadd.s32 $0x10, s22;
	s29 =	sadd.s32 $0x20, s22;
	s22 =	sadd.s32 $0x30, s22;
	v33 =	vsub.f32 $0.0e+00, v24  }
0xc8: {  	v34 =	vmov s26;
	v35 =	vmov s29;
	v36 =	vpop (erf);
	v21 =	vadd.f32 $-1.000000000e+00, v32  }
0xc9: {  	v29 =	vshll.u32 v29, $0x3;
	v32 =	vsub.f32 $0.0e+00, v32;
	v34 =	vshll.u32 v34, $0x3  }
0xca: {  	v26 =	vadd.f32 $-1.000000000e+00, v26;
	v37 =	vmov s22;
	v29 =	vor.u32 v0, v29  }
0xcb: {  	v42 =	vmul.f32 v27, v4;
	v4 =	vmovc v22;
	v35 =	vshll.u32 v35, $0x3;
	v34 =	vor.u32 v0, v34  }
0xcc: {  	v19 =	vadd.f32 $-1.000000000e+00, v19;
	v22 =	vor.u32 $0x1, v34;
	v38 =	vor.u32 $0x2, v34;
	v39 =	vpop (erf)  }
0xcd: {  	v33 =	vmul.f32 $1.442695020e+00, v33;
	v40 =	vor.u32 $0x1, v29;
	v41 =	vor.u32 $0x2, v29  }
0xce: {  	v19 =	vadd.f32 v42, v19;
	v37 =	vshll.u32 v37, $0x3;
	v35 =	vor.u32 v0, v35;
	v27 =	vpop (erf)  }
0xcf: {  	v42 =	vor.u32 $0x2, v35;
	v29 =	vld.idx.msk [tilespmem:v29+s21+$0x0], $0xffff;
	(erf) = vpow2.f32 v31;
	v31 =	vpop (erf);
	v27 =	vmul.f32 v27, v7  }
0xd0: {  	v37 =	vor.u32 v0, v37;
	v43 =	vsub.f32 $0.0e+00, v39;
	v34 =	vld.idx.msk [tilespmem:v34+s21+$0x0], $0xffff;
	v7 =	vadd.f32 $1.000000000e+00, v31  }
0xd1: {  	v45 =	vmax.f32 v3, $0.0e+00;
	v3 =	vmovc v23;
	v16 =	vadd.f32 v25, v16;
	v44 =	vor.u32 $0x2, v37;
	v22 =	vld.idx.msk [tilespmem:v22+s21+$0x0], $0xffff  }
0xd2: {  	v23 =	vmul.f32 $1.442695020e+00, v43;
	v26 =	vadd.f32 v27, v26;
	v25 =	vld.idx.msk [tilespmem:v41+s21+$0x0], $0xffff;
	v41 =	vor.u32 $0x1, v37  }
0xd3: {  	v46 =	vadd.f32 $-1.000000000e+00, v31;
	v27 =	vor.u32 $0x1, v35;
	v43 =	vld.idx.msk [tilespmem:v35+s21+$0x0], $0xffff;
	v35 =	vsub.f32 $0.0e+00, v36  }
0xd4: {  	v19 =	vadd.f32 v19, v6;
	v6 =	vmovc v45;
	v40 =	vld.idx.msk [tilespmem:v40+s21+$0x0], $0xffff;
	(erf) = vpow2.f32 v23;
	v23 =	vmul.f32 $1.442695020e+00, v32  }
0xd5: {  	v20 =	vadd.f32 v26, v20;
	v29 =	vmul.u32 $0x18, v29;
	v32 =	vld.idx.msk [tilespmem:v37+s21+$0x0], $0xffff;
	v35 =	vmul.f32 $1.442695020e+00, v35  }
0xd6: {  	v26 =	vmul.u32 $0x18, v34;
	v37 =	vadd.f32 $-1.000000000e+00, v39;
	v34 =	vld.idx.msk [tilespmem:v44+s21+$0x0], $0xffff;
	(erf) = vpow2.f32 v23  }
0xd7: {  	v31 =	vsub.f32 $0.0e+00, v31;
	v15 =	vadd.f32 v20, v15;
	v38 =	vld.idx.msk [tilespmem:v38+s21+$0x0], $0xffff;
	(erf) = vpow2.f32 v33  }
0xd8: {  	v14 =	vadd.f32 v19, v14;
	v23 =	vadd.f32 $1.000000000e+00, v39;
	v33 =	vmax.f32 v5, $0.0e+00;
	v20 =	vld.idx.msk [tilespmem:v27+s21+$0x0], $0xffff;
	v27 =	vpop (erf)  }
0xd9: {  	v31 =	vmul.f32 $1.442695020e+00, v31;
	v19 =	vshll.u32 v25, $0x1;
	v5 =	vmovc v30;
	v39 =	vmul.u32 $0x18, v43;
	v25 =	vld.idx.msk [tilespmem:v42+s21+$0x0], $0xffff  }
0xda: {  	v30 =	vand.u32 $0xFFFFFFF8, v19;
	v42 =	vmul.u32 $0xF0, v40;
	(erf) = vpow2.f32 v35  }
0xdb: {  	v28 =	vmul.f32 v28, v8;
	v35 =	vadd.f32 $1.000000000e+00, v36;
	(erf) = vpow2.f32 v31  }
0xdc: {  	v18 =	vadd.f32 $-1.000000000e+00, v18;
	v32 =	vmul.u32 $0x18, v32;
	v29 =	vadd.s32 v29, v42;
	v31 =	vld.idx.msk [tilespmem:v41+s21+$0x0], $0xffff  }
0xdd: {  	v19 =	vand.u32 $0x6, v19;
	v29 =	vadd.s32 v30, v29;
	v30 =	vsub.f32 $0.0e+00, v27;
	v40 =	vpop (erf)  }
0xde: {  	v38 =	vshll.u32 v38, $0x1;
	v41 =	vadd.f32 $-1.000000000e+00, v24;
	v20 =	vmul.u32 $0xF0, v20  }
0xdf: {  	v18 =	vadd.f32 v28, v18;
	v22 =	vmul.u32 $0xF0, v22;
	v19 =	vor.u32 v19, v29;
	v24 =	vpop (erf)  }
0xe0: {  	v28 =	vor.u32 $0x1, v19;
	v20 =	vadd.s32 v39, v20;
	v29 =	vmul.f32 v24, v4;
	v39 =	vpop (erf)  }
0xe1: {  	v22 =	vadd.s32 v26, v22;
	v26 =	vadd.f32 $-1.000000000e+00, v36;
	v24 =	vand.u32 $0xFFFFFFF8, v38  }
0xe2: {  	s18 =	sadd.s32 $0x40, s18;
	v38 =	vand.u32 $0x6, v38;
	v22 =	vadd.s32 v24, v22;
	v24 =	vadd.f32 $-1.000000000e+00, v18  }
0xe3: {  	s22 =	simm.s32 $0x0;
	v34 =	vshll.u32 v34, $0x1;
	v22 =	vor.u32 v38, v22;
	v38 =	vmul.f32 v39, v10;
	v36 =	vpop (erf)  }
0xe4: {  	v25 =	vshll.u32 v25, $0x1;
	v18 =	vsub.f32 $0.0e+00, v18;
	v39 =	vld.idx.msk [tilespmem:v19+s22+$0x0], $0xffff;
	v19 =	vor.u32 $0x1, v22;
	v10 =	vpop (erf)  }
0xe5: {  	v43 =	vand.u32 $0x6, v34;
	v42 =	vand.u32 $0x6, v25;
	v28 =	vld.idx.msk [tilespmem:v28+s22+$0x0], $0xffff;
	v44 =	vmul.f32 v10, v7;
	v10 =	vmovc v35  }
0xe6: {  	v25 =	vand.u32 $0xFFFFFFF8, v25;
	v31 =	vmul.u32 $0xF0, v31;
	v35 =	vmul.f32 v36, v10  }
0xe7: {  	v40 =	vmul.f32 v40, v23;
	v30 =	vmul.f32 $1.442695020e+00, v30;
	v36 =	vld [tilespmem:s18+$0xFFFFFFE0];
	v44 =	vadd.f32 v44, v46  }
0xe8: {  	v20 =	vadd.s32 v25, v20;
	v25 =	vand.u32 $0xFFFFFFF8, v34;
	v31 =	vadd.s32 v32, v31;
	v22 =	vld.idx.msk [tilespmem:v22+s22+$0x0], $0xffff  }
0xe9: {  	v20 =	vor.u32 v42, v20;
	v25 =	vadd.s32 v25, v31;
	v31 =	vmul.f32 $1.442695020e+00, v18  }
0xea: {  	v18 =	vadd.f32 v40, v37;
	v25 =	vor.u32 v43, v25;
	v34 =	vsub.f32 $0.0e+00, v44;
	v32 =	vld.idx.msk [tilespmem:v19+s22+$0x0], $0xffff  }
0xeb: {  	v40 =	vor.u32 $0x1, v20;
	v37 =	vsub.f32 v28, v39;
	v19 =	vadd.f32 v29, v21  }
0xec: {  	v21 =	vsub.f32 v39, v28;
	v28 =	vor.u32 $0x1, v25;
	v29 =	vmul.f32 $1.442695020e+00, v34  }
0xed: {  	v35 =	vadd.f32 v35, v26;
	vm0 =	veq.s32 v36, $0x1;
	v26 =	vsub.f32 $0.0e+00, v19;
	v34 =	vld [tilespmem:s18+$0xFFFFFFF0]  }
0xee: {  	v36 =	vadd.f32 v38, v41;
	v21 =	vsel vm0, v37, v21;
	(erf) = vpow2.f32 v29  }
0xef: {  	v29 =	vand.u32 $0x7FFFFFFF, v21;
	v26 =	vmul.f32 $1.442695020e+00, v26;
	v37 =	vld.idx.msk [tilespmem:v25+s22+$0x0], $0xffff;
	v25 =	vsub.f32 $0.0e+00, v35  }
0xf0: {  	v38 =	vsub.f32 v32, v22;
	(erf) = vpow2.f32 v30;
	v30 =	vadd.f32 v36, v33  }
0xf1: {  	v17 =	vsub.f32 $0.0e+00, v17;
	v29 =	vsub.f32 $0.0e+00, v29;
	v28 =	vld.idx.msk [tilespmem:v28+s22+$0x0], $0xffff;
	(erf) = vpow2.f32 v31  }
0xf2: {  	v22 =	vsub.f32 v22, v32;
	vm0 =	veq.s32 v34, $0x1;
	v31 =	vld.idx.msk [tilespmem:v20+s22+$0x0], $0xffff;
	v13 =	vadd.f32 v30, v13  }
0xf3: {  	v33 =	vsub.f32 $0.0e+00, v18;
	v32 =	vmul.f32 $1.442695020e+00, v25;
	v20 =	vmax.f32 v12, $0.0e+00;
	v12 =	vmovc v17;
	v30 =	vld.idx.msk [tilespmem:v40+s22+$0x0], $0xffff  }
0xf4: {  	v29 =	vmul.f32 $1.442695020e+00, v29;
	v25 =	vmax.f32 v2, $0.0e+00;
	v2 =	vmovc v9;
	v17 =	vsel vm0, v38, v22;
	v34 =	vld [tilespmem:s18+$0x10]  }
0xf5: {  	v22 =	vand.u32 $0x7FFFFFFF, v17;
	v9 =	vsub.f32 $0.0e+00, v17;
	v17 =	vld [tilespmem:s18+$0x0];
	(erf) = vpow2.f32 v32  }
0xf6: {  	v33 =	vmul.f32 $1.442695020e+00, v33;
	v32 =	vsub.f32 $0.0e+00, v22;
	v22 =	vadd.f32 $1.000000000e+00, v27  }
0xf7: {  	v38 =	vadd.f32 $-1.000000000e+00, v44;
	v36 =	vsub.f32 v28, v37;
	v39 =	vpop (erf);
	(erf) = vpow2.f32 v26  }
0xf8: {  	v26 =	vsub.f32 v37, v28;
	(erf) = vpow2.f32 v33;
	v37 =	vmul.f32 v39, v7  }
0xf9: {  	v33 =	vsub.f32 v30, v31;
	v30 =	vsub.f32 v31, v30;
	vm0 =	veq.s32 v34, $0x1;
	v31 =	vpop (erf)  }
0xfa: {  	vm1 =	veq.s32 v17, $0x1;
	v34 =	vsel vm0, v36, v26;
	v26 =	vadd.f32 v37, v38;
	v28 =	vpop (erf)  }
0xfb: {  	v17 =	vsel vm1, v33, v30;
	(erf) = vpow2.f32 v29;
	v28 =	vmul.f32 v28, v8;
	v8 =	vmovc v23  }
0xfc: {  	v29 =	vmul.f32 $1.442695020e+00, v32;
	v23 =	vsub.f32 $0.0e+00, v34;
	v30 =	vsub.f32 $0.0e+00, v26  }
.Ltmp0:
0xfd: {  	v35 =	vadd.f32 $-1.000000000e+00, v35;
	v32 =	vmul.f32 v31, v22;
	v33 =	vand.u32 $0x7FFFFFFF, v17;
	(pc) =	sbr.rel @p0 .LBB2_2-.Ltmp0, $4  }
0xfe: {  	v31 =	vsub.f32 $0.0e+00, v33;
	v33 =	vand.u32 $0x7FFFFFFF, v34;
	v34 =	vpop (erf);
	v36 =	vmul.f32 $1.442695020e+00, v30  }
0xff: {  	v37 =	vsub.f32 $0.0e+00, v33;
	(erf) = vpow2.f32 v29;
	v34 =	vmul.f32 v34, v10  }
0x100: {  	v33 =	vadd.f32 $-1.000000000e+00, v27;
	v30 =	vmul.f32 $1.442695020e+00, v31;
	v29 =	vadd.f32 v28, v24;
	v27 =	vpop (erf)  }
0x101: {  	v31 =	vmul.f32 $1.442695020e+00, v37;
	v24 =	vadd.f32 v34, v35;
	v28 =	vpop (erf);
	(erf) = vpow2.f32 v36  }
0x102: {  	_ = 	snop  }
0x103: {  	(erf) = vpow2.f32 v11;
	_ =	sdelay $0x3  }
0x104: {  	v34 =	vpop (erf)  }
0x105: {  	v32 =	vadd.f32 v32, v33;
	v47 =	vpop (erf)  }
0x106: {  	v11 =	vsub.f32 $0.0e+00, v47  }
0x107: {  	v35 =	vsub.f32 $0.0e+00, v32  }
0x108: {  	v36 =	vsub.f32 $0.0e+00, v24;
	v37 =	vpop (erf);
	v11 =	vmul.f32 $1.442695020e+00, v11  }
0x109: {  	v38 =	vsub.f32 $0.0e+00, v34;
	v35 =	vmul.f32 $1.442695020e+00, v35;
	(erf) = vpow2.f32 v31;
	v48 =	vpop (erf)  }
0x10a: {  	v36 =	vmul.f32 $1.442695020e+00, v36;
	(erf) = vpow2.f32 v11;
	v11 =	vsub.f32 $0.0e+00, v48  }
0x10b: {  	v38 =	vmul.f32 $1.442695020e+00, v38;
	(erf) = vpow2.f32 v35  }
0x10c: {  	(erf) = vpow2.f32 v36;
	v11 =	vmul.f32 $1.442695020e+00, v11  }
0x10d: {  	(erf) = vpow2.f32 v38  }
0x10e: {  	(erf) = vpow2.f32 v11;
	_ =	sdelay $0x3  }
0x10f: {  	v49 =	vpop (erf)  }
0x110: {  	v50 =	vpop (erf)  }
0x111: {  	v51 =	vpop (erf)  }
0x112: {  	v39 =	vpop (erf)  }
0x113: {  	v40 =	vadd.f32 $1.000000000e+00, v48;
	v41 =	vpop (erf)  }
0x114: {  	v11 =	vpop (erf)  }
0x115: {  	v31 =	vadd.f32 $-1.000000000e+00, v48;
	v11 =	vmul.f32 v11, v40;
	_ =	sdelay $0x1  }
0x116: {  	v31 =	vadd.f32 v11, v31;
	_ =	sdelay $0x1  }
0x117: {  	v11 =	vsub.f32 $0.0e+00, v31;
	_ =	sdelay $0x1  }
0x118: {  	v11 =	vmul.f32 $1.442695020e+00, v11;
	_ =	sdelay $0x1  }
0x119: {  	(erf) = vpow2.f32 v11;
	_ =	sdelay $0x1  }
0x11a: {  	v28 =	vmul.f32 v28, v8;
	v18 =	vadd.f32 $-1.000000000e+00, v18;
	_ =	sdelay $0x1  }
0x11b: {  	v43 =	vadd.f32 v28, v18;
	v11 =	vadd.f32 $1.000000000e+00, v34  }
0x11c: {  	v32 =	vadd.f32 $-1.000000000e+00, v32  }
0x11d: {  	v28 =	vadd.f32 $-1.000000000e+00, v34;
	v54 =	vsub.f32 $0.0e+00, v43;
	v52 =	vmul.f32 v41, v11  }
0x11e: {  	v18 =	vadd.f32 $1.000000000e+00, v47;
	v53 =	vsub.f32 $0.0e+00, v49;
	v38 =	vmul.f32 v51, v22  }
0x11f: {  	v42 =	vadd.f32 $-1.000000000e+00, v47;
	v34 =	vadd.f32 v52, v28  }
0x120: {  	v33 =	vmul.f32 $1.442695020e+00, v53;
	v32 =	vadd.f32 v38, v32;
	v28 =	vmul.f32 v50, v18;
	v55 =	vpop (erf)  }
0x121: {  	v31 =	vadd.f32 $-1.000000000e+00, v31;
	v56 =	vsub.f32 $0.0e+00, v34;
	v36 =	vmul.f32 v55, v40  }
0x122: {  	(erf) = vpow2.f32 v33;
	v41 =	vmul.f32 $1.442695020e+00, v54;
	v42 =	vadd.f32 v28, v42  }
0x123: {  	v28 =	vsub.f32 $0.0e+00, v32;
	v57 =	vmul.f32 $1.442695020e+00, v56;
	v31 =	vadd.f32 v36, v31  }
0x124: {  	v58 =	vsub.f32 $0.0e+00, v42;
	(erf) = vpow2.f32 v41  }
0x125: {  	v28 =	vmul.f32 $1.442695020e+00, v28;
	(erf) = vpow2.f32 v57;
	v59 =	vsub.f32 $0.0e+00, v31  }
0x126: {  	v36 =	vmul.f32 $1.442695020e+00, v58  }
0x127: {  	(erf) = vpow2.f32 v28;
	v28 =	vmul.f32 $1.442695020e+00, v59  }
0x128: {  	(erf) = vpow2.f32 v36  }
0x129: {  	(erf) = vpow2.f32 v28  }
0x12a: {  	(erf) = vpow2.f32 v30;
	_ =	sdelay $0x1  }
0x12b: {  	v60 =	vpop (erf);
	v28 =	vadd.f32 $1.000000000e+00, v49  }
0x12c: {  	v61 =	vpop (erf)  }
0x12d: {  	v35 =	vadd.f32 $-1.000000000e+00, v49;
	v62 =	vpop (erf);
	v30 =	vmul.f32 v60, v28  }
0x12e: {  	v34 =	vadd.f32 $-1.000000000e+00, v34;
	v36 =	vmul.f32 v62, v11  }
0x12f: {  	v63 =	vpop (erf);
	v30 =	vadd.f32 v30, v35  }
0x130: {  	v34 =	vadd.f32 v36, v34;
	v48 =	vpop (erf)  }
0x131: {  	v49 =	vsub.f32 $0.0e+00, v30;
	v50 =	vpop (erf)  }
0x132: {  	v44 =	vsub.f32 $0.0e+00, v34;
	v45 =	vpop (erf)  }
0x133: {  	v36 =	vmul.f32 $1.442695020e+00, v49;
	v46 =	vsub.f32 $0.0e+00, v45  }
0x134: {  	v44 =	vmul.f32 $1.442695020e+00, v44  }
0x135: {  	(erf) = vpow2.f32 v36;
	v51 =	vmul.f32 $1.442695020e+00, v46  }
0x136: {  	(erf) = vpow2.f32 v44  }
0x137: {  	(erf) = vpow2.f32 v51;
	_ =	sdelay $0x6  }
0x138: {  	v52 =	vpop (erf)  }
0x139: {  	v53 =	vadd.f32 $1.000000000e+00, v45;
	v54 =	vpop (erf)  }
0x13a: {  	v47 =	vpop (erf)  }
0x13b: {  	v45 =	vadd.f32 $-1.000000000e+00, v45;
	v47 =	vmul.f32 v47, v53  }
0x13c: {  	v26 =	vadd.f32 $-1.000000000e+00, v26;
	v7 =	vmul.f32 v37, v7  }
0x13d: {  	v4 =	vmul.f32 v27, v4;
	v19 =	vadd.f32 $-1.000000000e+00, v19;
	v27 =	vadd.f32 v47, v45  }
0x13e: {  	v25 =	vadd.f32 v29, v25;
	v7 =	vadd.f32 v7, v26  }
0x13f: {  	v4 =	vadd.f32 v4, v19;
	v19 =	vsub.f32 $0.0e+00, v27  }
0x140: {  	v5 =	vmax.f32 v5, $0.0e+00;
	v2 =	vmax.f32 v2, $0.0e+00;
	v7 =	vadd.f32 v7, v20  }
0x141: {  	v20 =	vadd.f32 $-1.000000000e+00, v24;
	v10 =	vmul.f32 v39, v10;
	v19 =	vmul.f32 $1.442695020e+00, v19  }
0x142: {  	v3 =	vmax.f32 v3, $0.0e+00;
	v16 =	vadd.f32 v25, v16;
	v4 =	vadd.f32 v4, v6  }
0x143: {  	v6 =	vadd.f32 v7, v15;
	v7 =	vadd.f32 v10, v20;
	(erf) = vpow2.f32 v19  }
0x144: {  	v4 =	vadd.f32 v4, v14;
	v15 =	vadd.f32 $-1.000000000e+00, v43;
	v8 =	vmul.f32 v61, v8  }
0x145: {  	v12 =	vmax.f32 v12, $0.0e+00;
	s1 =	sadd.s32 $0x0, s13;
	v10 =	vsub.f32 $0.0e+00, v21;
	v5 =	vadd.f32 v7, v5  }
0x146: {  	s18 =	sadd.s32 $0x20, s1;
	v8 =	vadd.f32 v8, v15;
	v15 =	vadd.f32 $-1.000000000e+00, v42;
	v55 =	vmul.f32 v48, v18  }
0x147: {  	v20 =	vmov s18;
	v7 =	vsub.f32 $0.0e+00, v17;
	v5 =	vadd.f32 v5, v13  }
0x148: {  	v2 =	vadd.f32 v8, v2;
	v14 =	vadd.f32 v55, v15;
	v19 =	vmul.f32 v50, v40  }
0x149: {  	v20 =	vshll.u32 v20, $0x3;
	v56 =	vadd.f32 $-1.000000000e+00, v32;
	v17 =	vadd.f32 $-1.000000000e+00, v31  }
0x14a: {  	v8 =	vmul.f32 v63, v22;
	v16 =	vadd.f32 v2, v16;
	v57 =	vsub.f32 $0.0e+00, v14  }
0x14b: {  	v15 =	vadd.f32 $-1.000000000e+00, v30;
	v2 =	vadd.f32 v19, v17;
	v17 =	vmul.f32 v52, v28  }
0x14c: {  	v58 =	vor.u32 v0, v20;
	v8 =	vadd.f32 v8, v56;
	v13 =	vmul.f32 $1.442695020e+00, v57;
	v19 =	vpop (erf)  }
0x14d: {  	v22 =	vadd.f32 $-1.000000000e+00, v27;
	v15 =	vadd.f32 v17, v15;
	v19 =	vmul.f32 v19, v53  }
0x14e: {  	v3 =	vadd.f32 v8, v3;
	(erf) = vpow2.f32 v13;
	v2 =	vadd.f32 v2, v12  }
0x14f: {  	v8 =	vsub.f32 $0.0e+00, v15;
	v59 =	vadd.f32 v19, v22  }
0x150: {  	v17 =	vor.u32 $0x1, v58;
	v6 =	vadd.f32 v2, v6;
	v2 =	vmax.f32 v10, $0.0e+00  }
0x151: {  	v8 =	vmul.f32 $1.442695020e+00, v8;
	v19 =	vor.u32 $0x2, v58;
	v10 =	vsub.f32 $0.0e+00, v59  }
0x152: {  	v20 =	vadd.f32 $-1.000000000e+00, v34;
	v4 =	vadd.f32 v3, v4;
	v11 =	vmul.f32 v54, v11  }
0x153: {  	(erf) = vpow2.f32 v8;
	v22 =	vld.idx.msk [tilespmem:v58+s23+$0x0], $0xffff;
	v3 =	vmul.f32 $1.442695020e+00, v10;
	v10 =	vmov s1  }
0x154: {  	v9 =	vmax.f32 v9, $0.0e+00;
	s29 =	sadd.s32 $0x10, s1;
	v11 =	vadd.f32 v11, v20;
	v8 =	vshll.u32 v10, $0x3  }
0x155: {  	v10 =	vld.idx.msk [tilespmem:v17+s23+$0x0], $0xffff;
	(erf) = vpow2.f32 v3;
	v3 =	vmov s29;
	v8 =	vor.u32 v0, v8  }
0x156: {  	v2 =	vadd.f32 v11, v2;
	v19 =	vld.idx.msk [tilespmem:v19+s23+$0x0], $0xffff;
	v3 =	vshll.u32 v3, $0x3;
	v11 =	vor.u32 $0x1, v8  }
0x157: {  	v21 =	vmax.f32 v23, $0.0e+00;
	v20 =	vpop (erf);
	v24 =	vor.u32 v0, v3;
	v3 =	vor.u32 $0x2, v8  }
0x158: {  	v2 =	vadd.f32 v2, v5;
	v5 =	vmul.f32 v20, v18;
	v18 =	vmul.u32 $0x18, v22  }
0x159: {  	v14 =	vadd.f32 $-1.000000000e+00, v14;
	v15 =	vadd.f32 $-1.000000000e+00, v15;
	s1 =	sadd.s32 $0x30, s1;
	v25 =	vor.u32 $0x1, v24  }
0x15a: {  	v20 =	vmov s1;
	v22 =	vor.u32 $0x2, v24;
	v10 =	vmul.u32 $0xF0, v10;
	v23 =	vld.idx.msk [tilespmem:v8+s23+$0x0], $0xffff  }
0x15b: {  	v5 =	vadd.f32 v5, v14;
	v20 =	vshll.u32 v20, $0x3;
	v19 =	vshll.u32 v19, $0x1;
	v26 =	vld.idx.msk [tilespmem:v11+s23+$0x0], $0xffff  }
0x15c: {  	v20 =	vor.u32 v0, v20;
	v27 =	vand.u32 $0xFFFFFFF8, v19;
	v10 =	vadd.s32 v18, v10;
	v18 =	vpop (erf);
	v3 =	vld.idx.msk [tilespmem:v3+s23+$0x0], $0xffff  }
0x15d: {  	v60 =	vand.u32 $0x6, v19;
	v10 =	vadd.s32 v27, v10;
	v19 =	vld.idx.msk [tilespmem:v24+s23+$0x0], $0xffff;
	v61 =	vmul.f32 v18, v28  }
0x15e: {  	v7 =	vmax.f32 v7, $0.0e+00;
	v5 =	vadd.f32 v5, v9;
	v10 =	vor.u32 v60, v10;
	v18 =	vld.idx.msk [tilespmem:v25+s23+$0x0], $0xffff  }
0x15f: {  	v9 =	vadd.f32 $-1.000000000e+00, v59;
	v27 =	vor.u32 $0x2, v20;
	v22 =	vld.idx.msk [tilespmem:v22+s23+$0x0], $0xffff;
	v62 =	vpop (erf);
	v12 =	vadd.f32 v61, v15  }
0x160: {  	v13 =	vld.idx.msk [tilespmem:v58+s24+$0x0], $0xffff;
	v28 =	vor.u32 $0x1, v10;
	v14 =	vmul.f32 v62, v53;
	v23 =	vmul.u32 $0x18, v23  }
0x161: {  	v17 =	vld.idx.msk [tilespmem:v17+s24+$0x0], $0xffff;
	v26 =	vmul.u32 $0xF0, v26;
	v12 =	vadd.f32 v12, v21;
	v3 =	vshll.u32 v3, $0x1  }
0x162: {  	v29 =	vld.idx.msk [tilespmem:v20+s23+$0x0], $0xffff;
	v9 =	vadd.f32 v14, v9;
	v63 =	vmul.u32 $0x18, v19;
	v15 =	vand.u32 $0xFFFFFFF8, v3  }
0x163: {  	v19 =	vadd.s32 v23, v26;
	v10 =	vld.idx.msk [tilespmem:v10+s19+$0x0], $0xffff;
	v23 =	vand.u32 $0x6, v3;
	v18 =	vmul.u32 $0xF0, v18  }
0x164: {  	v3 =	vadd.f32 v5, v16;
	v5 =	vshll.u32 v22, $0x1;
	v15 =	vadd.s32 v15, v19;
	v19 =	vld.idx.msk [tilespmem:v27+s23+$0x0], $0xffff  }
0x165: {  	p1 =	por $0x1, $0x1;
	v7 =	vadd.f32 v9, v7;
	v15 =	vor.u32 v23, v15;
	v14 =	vadd.s32 v63, v18;
	v18 =	vld.idx.msk [tilespmem:v28+s19+$0x0], $0xffff  }
.Ltmp1:
0x166: {  	v4 =	vadd.f32 v12, v4;
	v9 =	vand.u32 $0xFFFFFFF8, v5;
	v16 =	vand.u32 $0x6, v5;
	(pc) =	sbr.rel @!p1 .LBB2_4-.Ltmp1, $4  }
0x167: {  	v9 =	vadd.s32 v9, v14;
	v5 =	vadd.f32 v7, v6;
	v26 =	vor.u32 $0x1, v15  }
0x168: {  	v24 =	vld.idx.msk [tilespmem:v24+s24+$0x0], $0xffff;
	v21 =	vor.u32 v16, v9;
	v9 =	vor.u32 $0x1, v20;
	v6 =	vsub.f32 v10, v13  }
0x169: {  	v23 =	vld.idx.msk [tilespmem:v8+s24+$0x0], $0xffff;
	v16 =	vmul.u32 $0x18, v29;
	v22 =	vor.u32 $0x1, v21;
	v19 =	vshll.u32 v19, $0x1  }
0x16a: {  	p0 =	por $0x0, $0x0;
	v27 =	vld.idx.msk [tilespmem:v15+s19+$0x0], $0xffff;
	v7 =	vand.u32 $0x7FFFFFFF, v6;
	v8 =	vmul.f32 $5.000000000e-01, v6;
	v10 =	vsub.f32 v18, v17  }
0x16b: {  	_ =	sdelay $0x3  }
0x16c: {  	v11 =	vld.idx.msk [tilespmem:v11+s24+$0x0], $0xffff  }
0x16d: {  	v13 =	vld.idx.msk [tilespmem:v26+s19+$0x0], $0xffff  }
0x16e: {  	v15 =	vld.idx.msk [tilespmem:v21+s19+$0x0], $0xffff  }
0x16f: {  	s1 =	sadd.s32 $0x40, s13;
	v21 =	vld.idx.msk [tilespmem:v22+s19+$0x0], $0xffff  }
0x170: {  	v25 =	vld.idx.msk [tilespmem:v25+s24+$0x0], $0xffff;
	v29 =	vadd.f32 $-5.000000000e-01, v7;
	v56 =	vand.u32 $0x6, v19;
	v19 =	vand.u32 $0xFFFFFFF8, v19;
	s18 =	sadd.s32 $0x10, s1;
	s22 =	sadd.s32 $0x20, s1  }
0x171: {  	v30 =	vld.idx.msk [tilespmem:v9+s23+$0x0], $0xffff;
	v8 =	vmul.f32 v8, v6;
	v12 =	vmov s18;
	v14 =	vmov s22  }
0x172: {  	v12 =	vshll.u32 v12, $0x3;
	v14 =	vshll.u32 v14, $0x3;
	v18 =	vsub.f32 v27, v23  }
0x173: {  	v17 =	vor.u32 v0, v12;
	v14 =	vor.u32 v0, v14;
	v27 =	vmov s1  }
0x174: {  	v12 =	vor.u32 $0x1, v17;
	v22 =	vor.u32 $0x1, v14;
	v26 =	vor.u32 $0x2, v17  }
0x175: {  	v28 =	vor.u32 $0x2, v14;
	v27 =	vshll.u32 v27, $0x3;
	v13 =	vsub.f32 v13, v11  }
0x176: {  	v15 =	vsub.f32 v15, v24;
	v21 =	vsub.f32 v21, v25;
	v30 =	vmul.u32 $0xF0, v30  }
0x177: {  	v23 =	vand.u32 $0x7FFFFFFF, v18;
	v27 =	vor.u32 v0, v27;
	v24 =	vmul.f32 $5.000000000e-01, v18  }
0x178: {  	v31 =	vadd.f32 $-5.000000000e-01, v23;
	v11 =	vor.u32 $0x1, v27;
	v33 =	vor.u32 $0x2, v27  }
0x179: {  	v35 =	vmul.f32 $5.000000000e-01, v13;
	v36 =	vmul.f32 $5.000000000e-01, v15;
	vm1 =	vlt.f32 v23, $1.000000000e+00  }
0x17a: {  	v16 =	vadd.s32 v16, v30;
	v18 =	vmul.f32 v24, v18;
	v24 =	vand.u32 $0x7FFFFFFF, v15  }
0x17b: {  	v16 =	vadd.s32 v19, v16;
	v34 =	vld.idx.msk [tilespmem:v14+s23+$0x0], $0xffff;
	v15 =	vmul.f32 v36, v15;
	v54 =	vadd.f32 $-5.000000000e-01, v24  }
0x17c: {  	vm2 =	vlt.f32 v24, $1.000000000e+00;
	v24 =	vand.u32 $0x7FFFFFFF, v21;
	v16 =	vor.u32 v56, v16;
	v25 =	vld.idx.msk [tilespmem:v28+s23+$0x0], $0xffff  }
0x17d: {  	v28 =	vand.u32 $0x7FFFFFFF, v13;
	v37 =	vld.idx.msk [tilespmem:v22+s23+$0x0], $0xffff;
	v13 =	vmul.f32 v35, v13;
	v18 =	vsel vm1, v18, v31  }
0x17e: {  	s1 =	sadd.s32 $0x30, s1;
	v32 =	vld.idx.msk [tilespmem:v17+s23+$0x0], $0xffff;
	v31 =	vmul.f32 $5.000000000e-01, v21;
	vm1 =	vlt.f32 v7, $1.000000000e+00;
	vm0 =	vlt.f32 v28, $1.000000000e+00  }
0x17f: {  	v19 =	vld.idx.msk [tilespmem:v9+s24+$0x0], $0xffff;
	v55 =	vsel vm2, v15, v54;
	v15 =	vmov s1;
	v28 =	vadd.f32 $-5.000000000e-01, v28  }
0x180: {  	v26 =	vld.idx.msk [tilespmem:v26+s23+$0x0], $0xffff;
	v60 =	vor.u32 $0x1, v16;
	v8 =	vsel vm1, v8, v29;
	v15 =	vshll.u32 v15, $0x3  }
0x181: {  	v39 =	vld.idx.msk [tilespmem:v12+s23+$0x0], $0xffff;
	v31 =	vmul.f32 v31, v21;
	v15 =	vor.u32 v0, v15;
	v13 =	vsel vm0, v13, v28  }
0x182: {  	v23 =	vld.idx.msk [tilespmem:v27+s23+$0x0], $0xffff;
	v28 =	vmul.f32 $5.000000000e-01, v10;
	v34 =	vmul.u32 $0x18, v34;
	v37 =	vmul.u32 $0xF0, v37  }
0x183: {  	v38 =	vld.idx.msk [tilespmem:v11+s23+$0x0], $0xffff;
	vm0 =	vlt.f32 v24, $1.000000000e+00;
	v32 =	vmul.u32 $0x18, v32;
	v25 =	vshll.u32 v25, $0x1  }
0x184: {  	v33 =	vld.idx.msk [tilespmem:v33+s23+$0x0], $0xffff;
	v9 =	vor.u32 $0x1, v15;
	v40 =	vand.u32 $0xFFFFFFF8, v25;
	v34 =	vadd.s32 v34, v37  }
0x185: {  	v61 =	vor.u32 $0x2, v15;
	v25 =	vand.u32 $0x6, v25;
	v34 =	vadd.s32 v40, v34  }
0x186: {  	v13 =	vadd.f32 v13, v18;
	v18 =	vld.idx.msk [tilespmem:v16+s19+$0x0], $0xffff;
	v16 =	vand.u32 $0x7FFFFFFF, v10;
	v25 =	vor.u32 v25, v34  }
0x187: {  	v20 =	vld.idx.msk [tilespmem:v20+s24+$0x0], $0xffff;
	v26 =	vshll.u32 v26, $0x1;
	v39 =	vmul.u32 $0xF0, v39;
	v10 =	vmul.f32 v28, v10  }
0x188: {  	v62 =	vld.idx.msk [tilespmem:v22+s24+$0x0], $0xffff;
	v23 =	vmul.u32 $0x18, v23;
	v58 =	vand.u32 $0xFFFFFFF8, v26;
	v57 =	vmul.u32 $0xF0, v38  }
0x189: {  	v26 =	vand.u32 $0x6, v26;
	v33 =	vshll.u32 v33, $0x1;
	v32 =	vadd.s32 v32, v39;
	v59 =	vld.idx.msk [tilespmem:v15+s23+$0x0], $0xffff  }
0x18a: {  	v30 =	vand.u32 $0xFFFFFFF8, v33;
	v22 =	vadd.s32 v23, v57;
	v23 =	vld.idx.msk [tilespmem:v14+s24+$0x0], $0xffff;
	v34 =	vor.u32 $0x1, v25  }
0x18b: {  	v33 =	vand.u32 $0x6, v33;
	v32 =	vadd.s32 v58, v32;
	v14 =	vadd.s32 v30, v22;
	v25 =	vld.idx.msk [tilespmem:v25+s19+$0x0], $0xffff  }
0x18c: {  	v29 =	vsub.f32 v18, v20;
	v63 =	vor.u32 v33, v14;
	v14 =	vadd.f32 $-5.000000000e-01, v24;
	v24 =	vld.idx.msk [tilespmem:v60+s19+$0x0], $0xffff  }
0x18d: {  	v28 =	vadd.f32 $-5.000000000e-01, v16;
	v21 =	vor.u32 v26, v32;
	v18 =	vimm.f32 $0.0e+00  }
0x18e: {  	v22 =	vor.u32 $0x1, v21;
	v33 =	vand.u32 $0x7FFFFFFF, v29;
	v14 =	vsel vm0, v31, v14;
	v31 =	vld.idx.msk [tilespmem:v61+s23+$0x0], $0xffff  }
0x18f: {  	p2 =	por $0x1, $0x1;
	v32 =	vmul.f32 $5.000000000e-01, v29;
	v26 =	vor.u32 $0x1, v63;
	vm0 =	vlt.f32 v16, $1.000000000e+00;
	v34 =	vld.idx.msk [tilespmem:v34+s19+$0x0], $0xffff  }
.Ltmp2:
0x190: {  	v16 =	vmul.u32 $0x18, v59;
	v30 =	vadd.f32 v14, v55;
	v6 =	vsub.f32 v25, v23;
	v23 =	vld.idx.msk [tilespmem:v27+s24+$0x0], $0xffff;
	(pc) =	sbr.rel @!p2 .LBB2_6-.Ltmp2, $4  }
0x191: {  	v14 =	vadd.f32 v13, v1;
	v7 =	vsel vm0, v10, v28;
	v28 =	vsub.f32 v24, v19;
	v27 =	vld.idx.msk [tilespmem:v63+s19+$0x0], $0xffff  }
0x192: {  	vm0 =	vlt.f32 v33, $1.000000000e+00;
	v13 =	vadd.f32 v30, v1;
	v30 =	vadd.f32 v7, v8  }
0x193: {  	v24 =	vld.idx.msk [tilespmem:v17+s24+$0x0], $0xffff;
	v17 =	vimm.f32 $0.0e+00;
	v19 =	vshll.u32 v31, $0x1;
	v31 =	vmul.f32 $5.000000000e-01, v28  }
0x194: {  	p1 =	por $0x1, $0x1;
	s1 =	simm.s32 $0x80;
	v10 =	vsub.f32 v34, v62;
	v7 =	vand.u32 $0x7FFFFFFF, v6;
	v8 =	vmul.f32 $5.000000000e-01, v6  }
.LBB2_7:
0x195: {  	s22 =	sadd.s32 s1, s13;
	p2 =	sne.s32 s1, $0x3C0;
	s1 =	sadd.s32 $0x40, s1;
	v11 =	vld.idx.msk [tilespmem:v11+s24+$0x0], $0xffff;
	v18 =	vadd.f32 v30, v18;
	v25 =	vadd.f32 $-5.000000000e-01, v33;
	v20 =	vand.u32 $0x7FFFFFFF, v28  }
0x196: {  	v23 =	vsub.f32 v27, v23;
	v27 =	vmul.f32 v32, v29;
	s26 =	sadd.s32 $0x10, s22;
	s29 =	sadd.s32 $0x20, s22;
	s18 =	sadd.s32 $0x30, s22;
	v26 =	vld.idx.msk [tilespmem:v26+s19+$0x0], $0xffff;
	vm1 =	vlt.f32 v20, $1.000000000e+00  }
0x197: {  	v32 =	vadd.f32 $-5.000000000e-01, v20;
	v29 =	vmov s26;
	v30 =	vmov s29;
	v22 =	vld.idx.msk [tilespmem:v22+s19+$0x0], $0xffff  }
0x198: {  	v28 =	vmul.f32 v31, v28;
	v20 =	vshll.u32 v29, $0x3;
	v29 =	vshll.u32 v30, $0x3;
	v21 =	vld.idx.msk [tilespmem:v21+s19+$0x0], $0xffff  }
0x199: {  	v27 =	vsel vm0, v27, v25;
	v20 =	vor.u32 v0, v20;
	v29 =	vor.u32 v0, v29  }
0x19a: {  	v31 =	vand.u32 $0x7FFFFFFF, v23;
	v30 =	vor.u32 $0x1, v29;
	v33 =	vld.idx.msk [tilespmem:v12+s24+$0x0], $0xffff;
	v12 =	vor.u32 $0x1, v20  }
0x19b: {  	v25 =	vadd.f32 $-5.000000000e-01, v7;
	v34 =	vor.u32 $0x2, v20;
	v35 =	vor.u32 $0x2, v29  }
0x19c: {  	v36 =	vmov s22;
	v37 =	vmul.f32 $5.000000000e-01, v23;
	v28 =	vsel vm1, v28, v32  }
0x19d: {  	v32 =	vshll.u32 v36, $0x3;
	v36 =	vadd.f32 $-5.000000000e-01, v31;
	v26 =	vsub.f32 v26, v11;
	v38 =	vld.idx.msk [tilespmem:v9+s23+$0x0], $0xffff  }
0x19e: {  	v32 =	vor.u32 v0, v32;
	v21 =	vsub.f32 v21, v24;
	v24 =	vadd.f32 v28, v27;
	v39 =	vld.idx.msk [tilespmem:v20+s23+$0x0], $0xffff  }
0x19f: {  	v11 =	vor.u32 $0x1, v32;
	v27 =	vor.u32 $0x2, v32;
	v40 =	vmul.f32 $5.000000000e-01, v26;
	v28 =	vld.idx.msk [tilespmem:v29+s23+$0x0], $0xffff  }
0x1a0: {  	v41 =	vmul.f32 $5.000000000e-01, v21;
	v22 =	vsub.f32 v22, v33;
	v17 =	vadd.f32 v24, v17;
	v34 =	vld.idx.msk [tilespmem:v34+s23+$0x0], $0xffff  }
0x1a1: {  	v23 =	vmul.f32 v37, v23;
	v33 =	vand.u32 $0x7FFFFFFF, v26;
	v24 =	vld.idx.msk [tilespmem:v35+s23+$0x0], $0xffff;
	v35 =	vand.u32 $0x7FFFFFFF, v21  }
0x1a2: {  	v26 =	vmul.f32 v40, v26;
	v21 =	vmul.f32 v41, v21;
	v37 =	vld.idx.msk [tilespmem:v30+s23+$0x0], $0xffff;
	v40 =	vadd.f32 $-5.000000000e-01, v35  }
0x1a3: {  	vm1 =	vlt.f32 v31, $1.000000000e+00;
	v31 =	vand.u32 $0x7FFFFFFF, v22;
	vm2 =	vlt.f32 v35, $1.000000000e+00;
	v41 =	vld.idx.msk [tilespmem:v32+s23+$0x0], $0xffff  }
0x1a4: {  	vm0 =	vlt.f32 v33, $1.000000000e+00;
	v27 =	vld.idx.msk [tilespmem:v27+s23+$0x0], $0xffff;
	v35 =	vsel vm2, v21, v40;
	v21 =	vand.u32 $0x6, v19  }
0x1a5: {  	v36 =	vsel vm1, v23, v36;
	v28 =	vmul.u32 $0x18, v28;
	v19 =	vand.u32 $0xFFFFFFF8, v19;
	v40 =	vld.idx.msk [tilespmem:v11+s23+$0x0], $0xffff  }
0x1a6: {  	v42 =	vmov s18;
	v43 =	vmul.f32 $5.000000000e-01, v22;
	v38 =	vmul.u32 $0xF0, v38;
	v23 =	vld.idx.msk [tilespmem:v12+s23+$0x0], $0xffff  }
0x1a7: {  	v42 =	vshll.u32 v42, $0x3;
	v33 =	vadd.f32 $-5.000000000e-01, v33;
	v24 =	vshll.u32 v24, $0x1  }
0x1a8: {  	v42 =	vor.u32 v0, v42;
	v39 =	vmul.u32 $0x18, v39;
	v44 =	vand.u32 $0xFFFFFFF8, v24  }
0x1a9: {  	v24 =	vand.u32 $0x6, v24;
	v37 =	vmul.u32 $0xF0, v37;
	v41 =	vmul.u32 $0x18, v41  }
0x1aa: {  	v16 =	vadd.s32 v16, v38;
	v34 =	vshll.u32 v34, $0x1;
	v27 =	vshll.u32 v27, $0x1  }
0x1ab: {  	v28 =	vadd.s32 v28, v37;
	v38 =	vand.u32 $0xFFFFFFF8, v27;
	v27 =	vand.u32 $0x6, v27  }
0x1ac: {  	v37 =	vmul.u32 $0xF0, v40;
	v40 =	vand.u32 $0xFFFFFFF8, v34;
	v28 =	vadd.s32 v44, v28;
	v44 =	vld.idx.msk [tilespmem:v15+s24+$0x0], $0xffff;
	v15 =	vmovc v42  }
0x1ad: {  	v16 =	vadd.s32 v19, v16;
	v45 =	vmul.u32 $0xF0, v23;
	v24 =	vor.u32 v24, v28;
	v19 =	vld.idx.msk [tilespmem:v9+s24+$0x0], $0xffff  }
0x1ae: {  	v16 =	vor.u32 v21, v16;
	v28 =	vand.u32 $0x6, v34;
	v34 =	vor.u32 $0x1, v24;
	v42 =	vld.idx.msk [tilespmem:v42+s23+$0x0], $0xffff  }
0x1af: {  	v21 =	vadd.s32 v39, v45;
	v9 =	vor.u32 $0x1, v15;
	v23 =	vld.idx.msk [tilespmem:v32+s24+$0x0], $0xffff;
	v32 =	vor.u32 $0x1, v16  }
0x1b0: {  	v21 =	vadd.s32 v40, v21;
	v40 =	vmul.f32 v43, v22;
	v39 =	vld.idx.msk [tilespmem:v30+s24+$0x0], $0xffff;
	v30 =	vor.u32 $0x2, v15  }
0x1b1: {  	v26 =	vsel vm0, v26, v33;
	v22 =	vadd.s32 v41, v37;
	v21 =	vor.u32 v28, v21;
	v28 =	vld.idx.msk [tilespmem:v29+s24+$0x0], $0xffff  }
0x1b2: {  	v33 =	vadd.f32 v26, v36;
	v29 =	vadd.s32 v38, v22;
	v22 =	vor.u32 $0x1, v21;
	v24 =	vld.idx.msk [tilespmem:v24+s19+$0x0], $0xffff  }
0x1b3: {  	v36 =	vmul.f32 $5.000000000e-01, v10;
	v27 =	vor.u32 v27, v29;
	v29 =	vadd.f32 $-5.000000000e-01, v31;
	v37 =	vld.idx.msk [tilespmem:v16+s19+$0x0], $0xffff  }
0x1b4: {  	vm0 =	vlt.f32 v31, $1.000000000e+00;
	v26 =	vor.u32 $0x1, v27;
	v16 =	vand.u32 $0x7FFFFFFF, v10;
	v31 =	vld.idx.msk [tilespmem:v32+s19+$0x0], $0xffff  }
0x1b5: {  	v10 =	vmul.f32 v36, v10;
	v29 =	vsel vm0, v40, v29;
	v32 =	vld.idx.msk [tilespmem:v30+s23+$0x0], $0xffff;
	v30 =	vadd.f32 $-5.000000000e-01, v16  }
0x1b6: {  	v8 =	vmul.f32 v8, v6;
	vm0 =	vlt.f32 v16, $1.000000000e+00;
	v29 =	vadd.f32 v29, v35;
	v34 =	vld.idx.msk [tilespmem:v34+s19+$0x0], $0xffff  }
0x1b7: {  	vm1 =	vlt.f32 v7, $1.000000000e+00;
	v14 =	vadd.f32 v33, v14;
	v7 =	vsel vm0, v10, v30  }
.Ltmp3:
0x1b8: {  	v8 =	vsel vm1, v8, v25;
	v6 =	vsub.f32 v24, v28;
	v13 =	vadd.f32 v29, v13;
	v27 =	vld.idx.msk [tilespmem:v27+s19+$0x0], $0xffff;
	(pc) =	sbr.rel @p2 .LBB2_7-.Ltmp3, $4  }
0x1b9: {  	v16 =	vmul.u32 $0x18, v42;
	v30 =	vadd.f32 v7, v8;
	v29 =	vsub.f32 v37, v44  }
0x1ba: {  	v7 =	vand.u32 $0x7FFFFFFF, v6;
	v8 =	vmul.f32 $5.000000000e-01, v6;
	v28 =	vsub.f32 v31, v19  }
0x1bb: {  	v19 =	vshll.u32 v32, $0x1;
	v33 =	vand.u32 $0x7FFFFFFF, v29;
	v32 =	vmul.f32 $5.000000000e-01, v29  }
0x1bc: {  	v10 =	vsub.f32 v34, v39;
	vm0 =	vlt.f32 v33, $1.000000000e+00;
	v31 =	vmul.f32 $5.000000000e-01, v28;
	v24 =	vld.idx.msk [tilespmem:v20+s24+$0x0], $0xffff  }
0x1bd: {  	v25 =	vmov v12;
	v20 =	vmov v15  }
.LBB2_9:
0x1be: {  	_ =	sdelay $0x3  }
0x1bf: {  	v12 =	vld.idx.msk [tilespmem:v9+s23+$0x0], $0xffff;
	_ =	sdelay $0x3  }
0x1c0: {  	v15 =	vadd.f32 @p1 v30, v18  }
0x1c1: {  	v18 =	vadd.f32 @p1 $-5.000000000e-01, v33;
	v23 =	vsub.f32 v27, v23;
	v12 =	vmul.u32 $0xF0, v12  }
0x1c2: {  	v11 =	vld.idx.msk [tilespmem:v11+s24+$0x0], $0xffff;
	v27 =	vand.u32 @p1 $0x7FFFFFFF, v28;
	v29 =	vmul.f32 @p1 v32, v29;
	v28 =	vmul.f32 @p1 v31, v28  }
0x1c3: {  	v26 =	vld.idx.msk [tilespmem:v26+s19+$0x0], $0xffff;
	v39 =	vadd.f32 $-5.000000000e-01, v7;
	v41 =	vand.u32 $0xFFFFFFF8, v19;
	v12 =	vadd.s32 v16, v12  }
0x1c4: {  	v43 =	vand.u32 $0x6, v19;
	v57 =	vmul.f32 $5.000000000e-01, v10;
	v12 =	vadd.s32 v41, v12  }
0x1c5: {  	v21 =	vld.idx.msk [tilespmem:v21+s19+$0x0], $0xffff;
	v58 =	vand.u32 $0x7FFFFFFF, v10;
	v8 =	vmul.f32 v8, v6;
	v12 =	vor.u32 v43, v12  }
0x1c6: {  	v22 =	vld.idx.msk [tilespmem:v22+s19+$0x0], $0xffff;
	vm13 =	vlt.f32 v7, $1.000000000e+00;
	vm1 =	vlt.f32 @p1 v27, $1.000000000e+00;
	v46 =	vor.u32 $0x1, v12  }
0x1c7: {  	v25 =	vld.idx.msk [tilespmem:v25+s24+$0x0], $0xffff;
	v27 =	vadd.f32 @p1 $-5.000000000e-01, v27;
	v59 =	vadd.f32 $-5.000000000e-01, v58;
	v18 =	vsel @p1 vm0, v29, v18  }
0x1c8: {  	v50 =	vld.idx.msk [tilespmem:v20+s24+$0x0], $0xffff;
	v38 =	vand.u32 $0x7FFFFFFF, v23;
	v40 =	vmul.f32 $5.000000000e-01, v23;
	v11 =	vsub.f32 v26, v11  }
0x1c9: {  	v9 =	vld.idx.msk [tilespmem:v9+s24+$0x0], $0xffff;
	v10 =	vmul.f32 v57, v10;
	v27 =	vsel @p1 vm1, v28, v27;
	v44 =	vadd.f32 $-5.000000000e-01, v38  }
0x1ca: {  	vm9 =	vlt.f32 v38, $1.000000000e+00;
	v18 =	vadd.f32 @p1 v27, v18;
	v45 =	vmul.f32 $5.000000000e-01, v11;
	v12 =	vld.idx.msk [tilespmem:v12+s19+$0x0], $0xffff  }
0x1cb: {  	v47 =	vmul.f32 v40, v23;
	v42 =	vsub.f32 v21, v24;
	v48 =	vand.u32 $0x7FFFFFFF, v11;
	v55 =	vld.idx.msk [tilespmem:v46+s19+$0x0], $0xffff  }
0x1cc: {  	v22 =	vsub.f32 v22, v25;
	v53 =	vadd.f32 $-5.000000000e-01, v48;
	v11 =	vmul.f32 v45, v11  }
0x1cd: {  	v17 =	vadd.f32 @p1 v18, v17;
	v18 =	vsel vm9, v47, v44;
	vm2 =	vlt.f32 v48, $1.000000000e+00  }
0x1ce: {  	v24 =	vmul.f32 $5.000000000e-01, v42;
	v49 =	vand.u32 $0x7FFFFFFF, v42;
	v11 =	vsel vm2, v11, v53  }
0x1cf: {  	v52 =	vmul.f32 $5.000000000e-01, v22;
	v51 =	vadd.f32 $-5.000000000e-01, v49;
	v11 =	vadd.f32 v11, v18  }
0x1d0: {  	v54 =	vand.u32 $0x7FFFFFFF, v22;
	v12 =	vsub.f32 v12, v50;
	v9 =	vsub.f32 v55, v9  }
0x1d1: {  	vm10 =	vlt.f32 v49, $1.000000000e+00;
	v56 =	vadd.f32 $-5.000000000e-01, v54;
	v6 =	vadd.f32 v11, v14  }
0x1d2: {  	v11 =	vand.u32 $0x7FFFFFFF, v12;
	v60 =	vmul.f32 $5.000000000e-01, v12;
	v61 =	vmul.f32 $5.000000000e-01, v9  }
0x1d3: {  	vm11 =	vlt.f32 v54, $1.000000000e+00;
	v7 =	vadd.f32 $-5.000000000e-01, v11;
	v62 =	vand.u32 $0x7FFFFFFF, v9  }
0x1d4: {  	v12 =	vmul.f32 v60, v12;
	v63 =	vadd.f32 $-5.000000000e-01, v62;
	v9 =	vmul.f32 v61, v9  }
0x1d5: {  	v16 =	vmul.f32 v24, v42;
	vm14 =	vlt.f32 v11, $1.000000000e+00;
	vm15 =	vlt.f32 v62, $1.000000000e+00  }
0x1d6: {  	v22 =	vmul.f32 v52, v22;
	v7 =	vsel vm14, v12, v7;
	v9 =	vsel vm15, v9, v63  }
0x1d7: {  	v9 =	vadd.f32 v9, v7;
	v7 =	vpsel p1, v15, v1;
	v1 =	vpsel p1, v17, v1;
	p1 =	por $0x1, $0x1  }
.Ltmp4:
0x1d8: {  	vm12 =	vlt.f32 v58, $1.000000000e+00;
	v16 =	vsel vm10, v16, v51;
	v22 =	vsel vm11, v22, v56;
	(pc) =	sbr.rel @!p1 .LBB2_10-.Ltmp4, $4  }
0x1d9: {  	v8 =	vsel vm13, v8, v39;
	v10 =	vsel vm12, v10, v59;
	v16 =	vadd.f32 v22, v16  }
0x1da: {  	v10 =	vadd.f32 v10, v8  }
0x1db: {  	v8 =	vadd.f32 v16, v13  }
0x1dc: {  	s1 =	sadd.s32 $0x0, s14;
	v7 =	vadd.f32 v10, v7;
	v1 =	vadd.f32 v9, v1;
	v9 =	vimm.f32 $0.0e+00  }
0x1dd: {  	s18 =	sadd.s32 $0x30, s1;
	v13 =	vmov s1  }
0x1de: {  	v10 =	vmov s18;
	v13 =	vshll.u32 v13, $0x3  }
0x1df: {  	v10 =	vshll.u32 v10, $0x3;
	v13 =	vor.u32 v0, v13  }
0x1e0: {  	s26 =	sadd.s32 $0x10, s1;
	v10 =	vor.u32 v0, v10  }
0x1e1: {  	v11 =	vmov s26;
	v18 =	vor.u32 $0x1, v13  }
0x1e2: {  	s29 =	sadd.s32 $0x20, s1;
	v11 =	vshll.u32 v11, $0x3;
	v12 =	vor.u32 $0x1, v10  }
0x1e3: {  	v14 =	vmov s29;
	v11 =	vor.u32 v0, v11  }
0x1e4: {  	v14 =	vshll.u32 v14, $0x3;
	v15 =	vor.u32 $0x2, v10;
	v59 =	vld.idx.msk [tilespmem:v13+s25+$0x0], $0xffff  }
0x1e5: {  	v14 =	vor.u32 v0, v14;
	v10 =	vld.idx.msk [tilespmem:v10+s25+$0x0], $0xffff  }
0x1e6: {  	v16 =	vor.u32 $0x1, v11;
	v18 =	vld.idx.msk [tilespmem:v18+s25+$0x0], $0xffff  }
0x1e7: {  	v17 =	vor.u32 $0x1, v14;
	v12 =	vld.idx.msk [tilespmem:v12+s25+$0x0], $0xffff  }
0x1e8: {  	v19 =	vor.u32 $0x2, v11;
	v11 =	vld.idx.msk [tilespmem:v11+s25+$0x0], $0xffff  }
0x1e9: {  	v20 =	vor.u32 $0x2, v14;
	v15 =	vld.idx.msk [tilespmem:v15+s25+$0x0], $0xffff  }
0x1ea: {  	v21 =	vor.u32 $0x2, v13;
	v14 =	vld.idx.msk [tilespmem:v14+s25+$0x0], $0xffff  }
0x1eb: {  	v16 =	vld.idx.msk [tilespmem:v16+s25+$0x0], $0xffff  }
0x1ec: {  	v17 =	vld.idx.msk [tilespmem:v17+s25+$0x0], $0xffff;
	v12 =	vmul.u32 $0xA0, v12  }
0x1ed: {  	v61 =	vld.idx.msk [tilespmem:v19+s25+$0x0], $0xffff;
	v10 =	vshll.u32 v10, $0x4  }
0x1ee: {  	v62 =	vld.idx.msk [tilespmem:v20+s25+$0x0], $0xffff;
	v22 =	vand.u32 $0xFFFFFFF8, v15;
	v10 =	vadd.s32 v10, v12  }
0x1ef: {  	v19 =	vld.idx.msk [tilespmem:v21+s25+$0x0], $0xffff;
	v60 =	vand.u32 $0x7, v15;
	v10 =	vadd.s32 v22, v10  }
0x1f0: {  	v10 =	vor.u32 v60, v10  }
0x1f1: {  	p2 =	por $0x1, $0x1;
	v18 =	vmul.u32 $0xA0, v18;
	v11 =	vshll.u32 v11, $0x4  }
.Ltmp5:
0x1f2: {  	v14 =	vshll.u32 v14, $0x4;
	v16 =	vmul.u32 $0xA0, v16;
	v17 =	vmul.u32 $0xA0, v17;
	(pc) =	sbr.rel @!p2 .LBB2_12-.Ltmp5, $4  }
0x1f3: {  	v63 =	vand.u32 $0xFFFFFFF8, v61;
	v31 =	vand.u32 $0x7, v61;
	v20 =	vand.u32 $0x7, v62  }
0x1f4: {  	v30 =	vld [tilespmem:s0+$0x10];
	v32 =	vand.u32 $0xFFFFFFF8, v19;
	v11 =	vadd.s32 v11, v16;
	v12 =	vshll.u32 v59, $0x4  }
0x1f5: {  	v14 =	vadd.s32 v14, v17;
	v33 =	vadd.s32 v63, v11;
	v11 =	vand.u32 $0xFFFFFFF8, v62;
	v27 =	vld.idx.msk [tilespmem:v10+s20+$0x0], $0xffff  }
0x1f6: {  	s1 =	sadd.s32 $0x40, s14;
	p1 =	por $0x1, $0x1;
	v21 =	vand.u32 $0x7, v19;
	v29 =	vadd.s32 v12, v18;
	v24 =	vadd.s32 v11, v14;
	v10 =	vld [tilespmem:s0+$0xFFFFFFE0]  }
0x1f7: {  	s18 =	sadd.s32 $0x30, s1  }
0x1f8: {  	v11 =	vmov s18  }
0x1f9: {  	v12 =	vor.u32 v31, v33;
	v15 =	vmov s1;
	v11 =	vshll.u32 v11, $0x3  }
0x1fa: {  	v15 =	vshll.u32 v15, $0x3;
	v13 =	vor.u32 v0, v11  }
0x1fb: {  	s29 =	sadd.s32 $0x20, s1;
	v15 =	vor.u32 v0, v15;
	v14 =	vor.u32 $0x1, v13  }
0x1fc: {  	s26 =	sadd.s32 $0x10, s1;
	v16 =	vmov s29;
	v26 =	vor.u32 $0x1, v15  }
0x1fd: {  	v17 =	vld [tilespmem:s0+$0xFFFFFFF0];
	v16 =	vshll.u32 v16, $0x3;
	v11 =	vmov s26;
	v19 =	vor.u32 $0x2, v13  }
0x1fe: {  	v16 =	vor.u32 v0, v16;
	v11 =	vshll.u32 v11, $0x3;
	v12 =	vld.idx.msk [tilespmem:v12+s20+$0x0], $0xffff  }
0x1ff: {  	v25 =	vor.u32 $0x1, v16;
	v18 =	vor.u32 v0, v11;
	v13 =	vld.idx.msk [tilespmem:v13+s25+$0x0], $0xffff  }
0x200: {  	v23 =	vsub.f32 v27, v30;
	v22 =	vor.u32 $0x1, v18;
	v14 =	vld.idx.msk [tilespmem:v14+s25+$0x0], $0xffff  }
0x201: {  	v20 =	vor.u32 v20, v24;
	v24 =	vld.idx.msk [tilespmem:v26+s25+$0x0], $0xffff  }
0x202: {  	v28 =	vadd.s32 v32, v29;
	v27 =	vmul.f32 $5.000000000e-01, v23;
	v29 =	vand.u32 $0x7FFFFFFF, v23;
	v19 =	vld.idx.msk [tilespmem:v19+s25+$0x0], $0xffff  }
0x203: {  	v31 =	vor.u32 $0x2, v16;
	v30 =	vor.u32 $0x2, v18;
	vm0 =	vlt.f32 v29, $1.000000000e+00;
	v16 =	vld.idx.msk [tilespmem:v16+s25+$0x0], $0xffff  }
0x204: {  	v23 =	vmul.f32 v27, v23;
	v27 =	vadd.f32 $-5.000000000e-01, v29;
	v29 =	vor.u32 $0x2, v15;
	v25 =	vld.idx.msk [tilespmem:v25+s25+$0x0], $0xffff  }
0x205: {  	v17 =	vsub.f32 v12, v17;
	v22 =	vld.idx.msk [tilespmem:v22+s25+$0x0], $0xffff;
	v12 =	vmul.u32 $0xA0, v14  }
0x206: {  	v21 =	vor.u32 v21, v28;
	v18 =	vld.idx.msk [tilespmem:v18+s25+$0x0], $0xffff;
	v13 =	vshll.u32 v13, $0x4;
	v14 =	vsel vm0, v23, v27  }
0x207: {  	v23 =	vand.u32 $0x7FFFFFFF, v17;
	v26 =	vand.u32 $0xFFFFFFF8, v19;
	v27 =	vld.idx.msk [tilespmem:v15+s25+$0x0], $0xffff;
	v12 =	vadd.s32 v13, v12  }
0x208: {  	v15 =	vand.u32 $0x7, v19;
	v13 =	vmul.f32 $5.000000000e-01, v17;
	v19 =	vadd.s32 v26, v12;
	v26 =	vld.idx.msk [tilespmem:v30+s25+$0x0], $0xffff  }
0x209: {  	vm15 =	vlt.f32 v23, $1.000000000e+00;
	v12 =	vadd.f32 v14, v9;
	v14 =	vadd.f32 $-5.000000000e-01, v23;
	v23 =	vld.idx.msk [tilespmem:v29+s25+$0x0], $0xffff  }
0x20a: {  	v19 =	vor.u32 v15, v19;
	v13 =	vmul.f32 v13, v17;
	v15 =	vmul.u32 $0xA0, v22;
	v17 =	vld.idx.msk [tilespmem:v31+s25+$0x0], $0xffff  }
0x20b: {  	p3 =	por $0x1, $0x1;
	s18 =	sadd.s32 $0x40, s0;
	v11 =	vld [tilespmem:s0+$0x0];
	v24 =	vmul.u32 $0xA0, v24;
	v18 =	vshll.u32 v18, $0x4;
	v22 =	vmul.u32 $0xA0, v25  }
.Ltmp6:
0x20c: {  	v16 =	vshll.u32 v16, $0x4;
	v30 =	vld [tilespmem:s18+$0x10];
	v14 =	vsel vm15, v13, v14;
	v18 =	vadd.s32 v18, v15;
	(pc) =	sbr.rel @!p3 .LBB2_14-.Ltmp6, $4  }
0x20d: {  	v13 =	vld.idx.msk [tilespmem:v20+s20+$0x0], $0xffff;
	v20 =	vshll.u32 v27, $0x4;
	v22 =	vadd.s32 v16, v22;
	v14 =	vadd.f32 v14, v9  }
0x20e: {  	v15 =	vld.idx.msk [tilespmem:v21+s20+$0x0], $0xffff;
	v29 =	vadd.s32 v20, v24;
	v16 =	vand.u32 $0xFFFFFFF8, v26;
	v31 =	vand.u32 $0x7, v26  }
0x20f: {  	v32 =	vand.u32 $0xFFFFFFF8, v23;
	v27 =	vld.idx.msk [tilespmem:v19+s20+$0x0], $0xffff;
	v33 =	vadd.s32 v16, v18;
	v18 =	vand.u32 $0xFFFFFFF8, v17  }
0x210: {  	s1 =	sadd.s32 $0x80, s14;
	p2 =	por $0x1, $0x1;
	v21 =	vand.u32 $0x7, v23;
	v20 =	vand.u32 $0x7, v17;
	v16 =	vld [tilespmem:s18+$0xFFFFFFE0];
	v24 =	vadd.s32 v18, v22  }
0x211: {  	v17 =	vmov s1;
	s26 =	sadd.s32 $0x30, s1;
	v18 =	vor.u32 v31, v33  }
0x212: {  	s22 =	sadd.s32 $0x10, s1;
	v19 =	vadd.s32 v32, v29;
	v20 =	vor.u32 v20, v24;
	v23 =	vmov s26  }
0x213: {  	s29 =	sadd.s32 $0x20, s1;
	v22 =	vmov s22;
	v17 =	vshll.u32 v17, $0x3;
	v23 =	vshll.u32 v23, $0x3  }
0x214: {  	v25 =	vmov s29;
	v29 =	vor.u32 v0, v17;
	v23 =	vor.u32 v0, v23  }
0x215: {  	v24 =	vsub.f32 v13, v11;
	v22 =	vshll.u32 v22, $0x3;
	v34 =	vor.u32 $0x1, v29  }
0x216: {  	v19 =	vor.u32 v21, v19;
	v25 =	vshll.u32 v25, $0x3;
	v22 =	vor.u32 v0, v22  }
0x217: {  	v21 =	vsub.f32 v15, v10;
	v26 =	vsub.f32 v27, v30;
	v27 =	vld [tilespmem:s18+$0xFFFFFFF0];
	v28 =	vor.u32 $0x1, v23  }
0x218: {  	v25 =	vor.u32 v0, v25;
	v57 =	vor.u32 $0x2, v29;
	v58 =	vmul.f32 $5.000000000e-01, v24;
	v17 =	vld.idx.msk [tilespmem:v18+s20+$0x0], $0xffff  }
0x219: {  	v30 =	vor.u32 $0x1, v22;
	v55 =	vor.u32 $0x2, v23;
	v18 =	vmul.f32 $5.000000000e-01, v26;
	v23 =	vld.idx.msk [tilespmem:v23+s25+$0x0], $0xffff  }
0x21a: {  	v31 =	vor.u32 $0x1, v25;
	v35 =	vor.u32 $0x2, v22;
	v56 =	vand.u32 $0x7FFFFFFF, v26;
	v34 =	vld.idx.msk [tilespmem:v34+s25+$0x0], $0xffff  }
0x21b: {  	v39 =	vmul.f32 $5.000000000e-01, v21;
	v18 =	vmul.f32 v18, v26;
	v26 =	vadd.f32 $-5.000000000e-01, v56;
	v22 =	vld.idx.msk [tilespmem:v22+s25+$0x0], $0xffff  }
0x21c: {  	v36 =	vor.u32 $0x2, v25;
	v41 =	vand.u32 $0x7FFFFFFF, v21;
	vm0 =	vlt.f32 v56, $1.000000000e+00;
	v28 =	vld.idx.msk [tilespmem:v28+s25+$0x0], $0xffff  }
0x21d: {  	v21 =	vmul.f32 v39, v21;
	v59 =	vld.idx.msk [tilespmem:v25+s25+$0x0], $0xffff;
	v25 =	vadd.f32 $-5.000000000e-01, v41;
	v18 =	vsel vm0, v18, v26  }
0x21e: {  	vm15 =	vlt.f32 v41, $1.000000000e+00;
	v26 =	vsub.f32 v17, v27;
	v17 =	vadd.f32 v18, v12;
	v18 =	vld.idx.msk [tilespmem:v55+s25+$0x0], $0xffff  }
0x21f: {  	v27 =	vld.idx.msk [tilespmem:v30+s25+$0x0], $0xffff;
	v30 =	vand.u32 $0x7FFFFFFF, v24;
	v24 =	vmul.f32 v58, v24;
	v25 =	vsel vm15, v21, v25  }
0x220: {  	v62 =	vld.idx.msk [tilespmem:v57+s25+$0x0], $0xffff;
	v60 =	vadd.f32 $-5.000000000e-01, v30;
	vm1 =	vlt.f32 v30, $1.000000000e+00;
	v37 =	vand.u32 $0x7FFFFFFF, v26  }
0x221: {  	v31 =	vld.idx.msk [tilespmem:v31+s25+$0x0], $0xffff;
	v38 =	vmul.f32 $5.000000000e-01, v26;
	v40 =	vadd.f32 $-5.000000000e-01, v37;
	v28 =	vmul.u32 $0xA0, v28  }
0x222: {  	v23 =	vshll.u32 v23, $0x4;
	vm14 =	vlt.f32 v37, $1.000000000e+00;
	v30 =	vmul.u32 $0xA0, v34  }
0x223: {  	v29 =	vld.idx.msk [tilespmem:v29+s25+$0x0], $0xffff;
	v21 =	vsel vm1, v24, v60;
	v61 =	vand.u32 $0xFFFFFFF8, v18;
	v23 =	vadd.s32 v23, v28  }
0x224: {  	v35 =	vld.idx.msk [tilespmem:v35+s25+$0x0], $0xffff;
	v26 =	vmul.f32 v38, v26;
	v18 =	vand.u32 $0x7, v18;
	v23 =	vadd.s32 v61, v23  }
0x225: {  	v36 =	vld.idx.msk [tilespmem:v36+s25+$0x0], $0xffff;
	v32 =	vand.u32 $0xFFFFFFF8, v62;
	v27 =	vmul.u32 $0xA0, v27;
	v23 =	vor.u32 v18, v23  }
0x226: {  	p3 =	por $0x1, $0x1;
	v31 =	vmul.u32 $0xA0, v31;
	v28 =	vld.idx.msk [tilespmem:v19+s20+$0x0], $0xffff;
	v18 =	vsel vm14, v26, v40;
	v26 =	vshll.u32 v22, $0x4  }
.Ltmp7:
0x227: {  	v19 =	vadd.f32 v21, v9;
	v21 =	vand.u32 $0x7, v62;
	v22 =	vld [tilespmem:s18+$0x0];
	v24 =	vadd.s32 v26, v27;
	(pc) =	sbr.rel @!p3 .LBB2_16-.Ltmp7, $4  }
0x228: {  	s18 =	sadd.s32 $0x40, s18;
	v26 =	vld.idx.msk [tilespmem:v20+s20+$0x0], $0xffff;
	v20 =	vshll.u32 v59, $0x4;
	v18 =	vadd.f32 v18, v14;
	v27 =	vshll.u32 v29, $0x4  }
0x229: {  	v63 =	vadd.s32 v20, v31;
	v20 =	vand.u32 $0xFFFFFFF8, v35;
	v29 =	vadd.s32 v27, v30;
	v30 =	vld [tilespmem:s18+$0x10]  }
0x22a: {  	v31 =	vand.u32 $0x7, v35;
	v33 =	vadd.s32 v20, v24;
	v27 =	vld.idx.msk [tilespmem:v23+s20+$0x0], $0xffff;
	v23 =	vand.u32 $0xFFFFFFF8, v36  }
0x22b: {  	s1 =	sadd.s32 $0xC0, s14;
	p0 =	por $0x1, $0x1;
	s22 =	simm.s32 $0x100;
	v35 =	vld [tilespmem:s18+$0xFFFFFFE0];
	v20 =	vand.u32 $0x7, v36;
	v24 =	vadd.s32 v23, v63;
	v23 =	vimm.f32 $0.0e+00  }
.LBB2_17:
0x22c: {  	p3 =	sne.s32 s22, $0x1C0;
	v34 =	vmov s1;
	s26 =	sadd.s32 $0x10, s1;
	s29 =	sadd.s32 $0x30, s1;
	v29 =	vadd.s32 v32, v29;
	v31 =	vor.u32 v31, v33;
	v32 =	vld [tilespmem:s18+$0xFFFFFFF0]  }
0x22d: {  	s1 =	sadd.s32 $0x20, s1;
	v33 =	vshll.u32 v34, $0x3;
	v34 =	vmov s26;
	v36 =	vmov s29;
	v37 =	vld [tilespmem:s18+$0x0]  }
0x22e: {  	v38 =	vmov s1;
	v34 =	vshll.u32 v34, $0x3;
	v36 =	vshll.u32 v36, $0x3  }
0x22f: {  	v38 =	vshll.u32 v38, $0x3;
	v36 =	vor.u32 v0, v36;
	v27 =	vsub.f32 v27, v30  }
0x230: {  	v30 =	vor.u32 v0, v34;
	v34 =	vor.u32 v0, v38;
	v38 =	vor.u32 $0x1, v36  }
0x231: {  	v33 =	vor.u32 v0, v33;
	v39 =	vor.u32 $0x1, v30;
	v31 =	vld.idx.msk [tilespmem:v31+s20+$0x0], $0xffff;
	v40 =	vmul.f32 $5.000000000e-01, v27  }
0x232: {  	v41 =	vor.u32 $0x1, v34;
	v42 =	vor.u32 $0x2, v36;
	v43 =	vand.u32 $0x7FFFFFFF, v27  }
0x233: {  	v44 =	vor.u32 $0x1, v33;
	v27 =	vmul.f32 v40, v27;
	v40 =	vadd.f32 $-5.000000000e-01, v43  }
0x234: {  	v45 =	vor.u32 $0x2, v30;
	v46 =	vor.u32 $0x2, v34;
	vm0 =	vlt.f32 v43, $1.000000000e+00  }
0x235: {  	v20 =	vor.u32 v20, v24;
	v43 =	vor.u32 $0x2, v33;
	v38 =	vld.idx.msk [tilespmem:v38+s25+$0x0], $0xffff;
	v24 =	vsel vm0, v27, v40  }
0x236: {  	v21 =	vor.u32 v21, v29;
	v27 =	vld.idx.msk [tilespmem:v36+s25+$0x0], $0xffff;
	v17 =	vadd.f32 v24, v17;
	v24 =	vsub.f32 v26, v22  }
0x237: {  	v28 =	vsub.f32 v28, v16;
	v16 =	vmovc v35;
	v29 =	vsub.f32 v31, v32;
	v22 =	vmov v37;
	v26 =	vld.idx.msk [tilespmem:v42+s25+$0x0], $0xffff  }
0x238: {  	v23 =	vadd.f32 v25, v23;
	v31 =	vld.idx.msk [tilespmem:v39+s25+$0x0], $0xffff;
	v32 =	vand.u32 $0x7FFFFFFF, v24;
	v35 =	vmul.f32 $5.000000000e-01, v24  }
0x239: {  	v36 =	vand.u32 $0x7FFFFFFF, v29;
	v37 =	vmul.f32 $5.000000000e-01, v29;
	v39 =	vmul.f32 $5.000000000e-01, v28;
	v25 =	vld.idx.msk [tilespmem:v41+s25+$0x0], $0xffff  }
0x23a: {  	v42 =	vand.u32 $0x7FFFFFFF, v28;
	v41 =	vadd.f32 $-5.000000000e-01, v36;
	v40 =	vld.idx.msk [tilespmem:v44+s25+$0x0], $0xffff;
	v24 =	vmul.f32 v35, v24  }
0x23b: {  	v35 =	vmul.u32 $0xA0, v38;
	v29 =	vmul.f32 v37, v29;
	v28 =	vmul.f32 v39, v28;
	v30 =	vld.idx.msk [tilespmem:v30+s25+$0x0], $0xffff  }
0x23c: {  	v37 =	vadd.f32 $-5.000000000e-01, v42;
	v38 =	vadd.f32 $-5.000000000e-01, v32;
	v27 =	vshll.u32 v27, $0x4;
	v34 =	vld.idx.msk [tilespmem:v34+s25+$0x0], $0xffff  }
0x23d: {  	vm0 =	vlt.f32 v36, $1.000000000e+00;
	v39 =	vand.u32 $0xFFFFFFF8, v26;
	v27 =	vadd.s32 v27, v35;
	v33 =	vld.idx.msk [tilespmem:v33+s25+$0x0], $0xffff  }
0x23e: {  	v26 =	vand.u32 $0x7, v26;
	v31 =	vmul.u32 $0xA0, v31;
	v27 =	vadd.s32 v39, v27;
	v35 =	vld.idx.msk [tilespmem:v45+s25+$0x0], $0xffff  }
0x23f: {  	vm1 =	vlt.f32 v32, $1.000000000e+00;
	v39 =	vmul.u32 $0xA0, v25;
	v27 =	vor.u32 v26, v27;
	v36 =	vld.idx.msk [tilespmem:v46+s25+$0x0], $0xffff  }
0x240: {  	v29 =	vsel vm0, v29, v41;
	vm0 =	vlt.f32 v42, $1.000000000e+00;
	v32 =	vmul.u32 $0xA0, v40;
	v43 =	vld.idx.msk [tilespmem:v43+s25+$0x0], $0xffff  }
0x241: {  	v25 =	vsel vm0, v28, v37;
	v30 =	vshll.u32 v30, $0x4;
	v26 =	vld.idx.msk [tilespmem:v20+s20+$0x0], $0xffff;
	v20 =	vsel vm1, v24, v38  }
.Ltmp8:
0x242: {  	v18 =	vadd.f32 v29, v18;
	v24 =	vadd.s32 v30, v31;
	v30 =	vshll.u32 v34, $0x4;
	v28 =	vld.idx.msk [tilespmem:v21+s20+$0x0], $0xffff;
	(pc) =	sbr.rel @p3 .LBB2_17-.Ltmp8, $4  }
0x243: {  	v21 =	vshll.u32 v33, $0x4;
	v34 =	vadd.s32 v30, v39;
	v19 =	vadd.f32 v20, v19  }
0x244: {  	s18 =	sadd.s32 $0x40, s18;
	v29 =	vadd.s32 v21, v32;
	v20 =	vand.u32 $0xFFFFFFF8, v35;
	v31 =	vand.u32 $0x7, v35;
	v27 =	vld.idx.msk [tilespmem:v27+s20+$0x0], $0xffff  }
0x245: {  	v33 =	vadd.s32 v20, v24;
	v24 =	vand.u32 $0xFFFFFFF8, v36;
	v20 =	vand.u32 $0x7, v36;
	v30 =	vld [tilespmem:s18+$0x10]  }
0x246: {  	s1 =	sadd.s32 s22, s14;
	s22 =	sadd.s32 $0x40, s22;
	v32 =	vand.u32 $0xFFFFFFF8, v43;
	v21 =	vand.u32 $0x7, v43;
	v24 =	vadd.s32 v24, v34;
	v35 =	vld [tilespmem:s18+$0xFFFFFFE0]  }
0x247: {  	_ =	sdelay $0x3  }
0x248: {  	v34 =	vmov v16;
	v16 =	vmov v35  }
.LBB2_19:
0x249: {  	v35 =	vmov s1  }
0x24a: {  	v29 =	vadd.s32 @p1 v32, v29;
	v31 =	vor.u32 @p1 v31, v33;
	v27 =	vsub.f32 @p1 v27, v30  }
0x24b: {  	s26 =	sadd.s32 $0x30, s1;
	v20 =	vor.u32 @p1 v20, v24;
	v22 =	vsub.f32 @p2 v26, v22;
	v28 =	vsub.f32 @p2 v28, v34  }
0x24c: {  	v23 =	vadd.f32 @p0 v25, v23;
	v10 =	vpsel p1, v16, v10;
	v48 =	vmov s26  }
0x24d: {  	s22 =	sadd.s32 $0x10, s1;
	v35 =	vshll.u32 v35, $0x3;
	v21 =	vor.u32 @p1 v21, v29;
	v33 =	vshll.u32 v48, $0x3  }
0x24e: {  	v47 =	vmov s22;
	s26 =	sadd.s32 $0x20, s1;
	v35 =	vor.u32 v0, v35;
	v33 =	vor.u32 v0, v33  }
0x24f: {  	v37 =	vld @p1 [tilespmem:s18+$0xFFFFFFF0];
	v32 =	vshll.u32 v47, $0x3;
	v36 =	vmov s26;
	v44 =	vor.u32 $0x1, v35  }
0x250: {  	v38 =	vmul.f32 @p1 $5.000000000e-01, v27;
	v41 =	vand.u32 @p1 $0x7FFFFFFF, v27;
	v32 =	vor.u32 v0, v32;
	v31 =	vld.idx.msk @p1 [tilespmem:v31+s20+$0x0], $0xffff  }
0x251: {  	v49 =	vshll.u32 v36, $0x3;
	v46 =	vor.u32 $0x2, v35;
	v50 =	vor.u32 $0x1, v33;
	v20 =	vld.idx.msk @p1 [tilespmem:v20+s20+$0x0], $0xffff  }
0x252: {  	v30 =	vor.u32 v0, v49;
	v27 =	vmul.f32 @p1 v38, v27;
	v38 =	vadd.f32 @p1 $-5.000000000e-01, v41;
	v21 =	vld.idx.msk @p1 [tilespmem:v21+s20+$0x0], $0xffff  }
0x253: {  	v2 =	vadd.f32 v3, v2;
	vm0 =	vlt.f32 @p1 v41, $1.000000000e+00;
	v42 =	vor.u32 $0x1, v30;
	v52 =	vld.idx.msk [tilespmem:v33+s25+$0x0], $0xffff  }
0x254: {  	v6 =	vadd.f32 v8, v6;
	v40 =	vor.u32 $0x2, v33;
	v27 =	vsel @p1 vm0, v27, v38;
	v56 =	vld.idx.msk [tilespmem:v44+s25+$0x0], $0xffff  }
0x255: {  	v39 =	vor.u32 $0x1, v32;
	v45 =	vor.u32 $0x2, v32;
	v17 =	vadd.f32 @p1 v27, v17;
	v32 =	vld.idx.msk [tilespmem:v32+s25+$0x0], $0xffff  }
0x256: {  	v2 =	vadd.f32 v5, v2;
	v51 =	vor.u32 $0x2, v30;
	v33 =	vmul.f32 @p2 $5.000000000e-01, v22;
	v61 =	vld.idx.msk [tilespmem:v46+s25+$0x0], $0xffff  }
0x257: {  	v38 =	vmul.f32 @p2 $5.000000000e-01, v28;
	v36 =	vld.idx.msk [tilespmem:v50+s25+$0x0], $0xffff;
	v12 =	vpsel p1, v17, v12;
	v27 =	vsub.f32 @p1 v31, v37  }
0x258: {  	v31 =	vand.u32 @p2 $0x7FFFFFFF, v22;
	v55 =	vld.idx.msk [tilespmem:v42+s25+$0x0], $0xffff;
	v42 =	vand.u32 @p2 $0x7FFFFFFF, v28;
	v22 =	vmul.f32 @p2 v33, v22  }
0x259: {  	v53 =	vld.idx.msk [tilespmem:v40+s25+$0x0], $0xffff;
	v28 =	vmul.f32 @p2 v38, v28;
	v13 =	vpsel p1, v20, v13;
	v20 =	vpsel p0, v23, v9  }
0x25a: {  	v54 =	vld.idx.msk [tilespmem:v39+s25+$0x0], $0xffff;
	v33 =	vadd.f32 @p2 $-5.000000000e-01, v31;
	vm1 =	vlt.f32 @p2 v31, $1.000000000e+00;
	v15 =	vpsel p1, v21, v15  }
0x25b: {  	v58 =	vld.idx.msk [tilespmem:v45+s25+$0x0], $0xffff;
	v34 =	vand.u32 @p1 $0x7FFFFFFF, v27;
	v37 =	vmul.f32 @p1 $5.000000000e-01, v27;
	v10 =	vsub.f32 @p1 v15, v10  }
0x25c: {  	v30 =	vld.idx.msk [tilespmem:v30+s25+$0x0], $0xffff;
	v40 =	vadd.f32 @p1 $-5.000000000e-01, v34;
	v24 =	vshll.u32 v52, $0x4;
	vm0 =	vlt.f32 @p1 v34, $1.000000000e+00  }
0x25d: {  	v62 =	vmul.u32 $0xA0, v56;
	v32 =	vshll.u32 v32, $0x4;
	v36 =	vmul.u32 $0xA0, v36  }
0x25e: {  	v60 =	vld.idx.msk [tilespmem:v51+s25+$0x0], $0xffff;
	v22 =	vsel @p2 vm1, v22, v33;
	v31 =	vand.u32 $0x7, v61;
	v27 =	vmul.f32 @p1 v37, v27  }
0x25f: {  	v35 =	vld.idx.msk [tilespmem:v35+s25+$0x0], $0xffff;
	v57 =	vand.u32 $0xFFFFFFF8, v53;
	v59 =	vmul.u32 $0xA0, v54;
	v24 =	vadd.s32 v24, v36  }
0x260: {  	v26 =	vand.u32 $0x7, v53;
	v63 =	vand.u32 $0xFFFFFFF8, v58;
	v24 =	vadd.s32 v57, v24  }
0x261: {  	v43 =	vld @p1 [tilespmem:s18+$0x0];
	v30 =	vshll.u32 v30, $0x4;
	v24 =	vor.u32 v26, v24;
	v26 =	vadd.s32 v32, v59  }
0x262: {  	v25 =	vmul.u32 $0xA0, v55;
	v36 =	vand.u32 $0x7, v58;
	v26 =	vadd.s32 v63, v26  }
0x263: {  	s1 =	sadd.s32 @p1 $0x40, s18;
	s18 =	smov.u32 s0;
	v39 =	vand.u32 $0xFFFFFFF8, v60;
	v29 =	vand.u32 $0x7, v60;
	v26 =	vor.u32 v36, v26  }
0x264: {  	s18 =	smov.u32 @p1 s1;
	v27 =	vsel @p1 vm0, v27, v40;
	v25 =	vadd.s32 v30, v25;
	v36 =	vshll.u32 v35, $0x4  }
0x265: {  	v48 =	vld [tilespmem:s18+$0xFFFFFFE0];
	v40 =	vand.u32 $0xFFFFFFF8, v61;
	v25 =	vadd.s32 v39, v25;
	v38 =	vadd.s32 v36, v62  }
0x266: {  	v41 =	vld [tilespmem:s18+$0xFFFFFFF0];
	v19 =	vadd.f32 @p2 v22, v19;
	v32 =	vmovc @p1 v43;
	v25 =	vor.u32 v29, v25;
	v43 =	vadd.s32 v40, v38  }
0x267: {  	v49 =	vld [tilespmem:s18+$0x0];
	v37 =	vadd.f32 @p2 $-5.000000000e-01, v42;
	v11 =	vpsel p1, v32, v11;
	v45 =	vor.u32 v31, v43  }
0x268: {  	vm0 =	vlt.f32 @p2 v42, $1.000000000e+00;
	v19 =	vpsel p2, v19, v9;
	v11 =	vsub.f32 @p1 v13, v11;
	v42 =	vld.idx.msk [tilespmem:v26+s20+$0x0], $0xffff  }
0x269: {  	v28 =	vsel @p2 vm0, v28, v37;
	v18 =	vadd.f32 @p1 v27, v18;
	v37 =	vld [tilespmem:s18+$0x10];
	v30 =	vand.u32 @p1 $0x7FFFFFFF, v10  }
0x26a: {  	v23 =	vpsel p2, v28, v0;
	v28 =	vmul.f32 @p1 $5.000000000e-01, v10;
	v22 =	vmul.f32 @p1 $5.000000000e-01, v11;
	v24 =	vld.idx.msk [tilespmem:v24+s20+$0x0], $0xffff  }
0x26b: {  	v27 =	vadd.f32 @p1 $-5.000000000e-01, v30;
	v14 =	vpsel p1, v18, v14;
	v17 =	vand.u32 @p1 $0x7FFFFFFF, v11;
	v53 =	vld.idx.msk [tilespmem:v25+s20+$0x0], $0xffff  }
0x26c: {  	v10 =	vmul.f32 @p1 v28, v10;
	v11 =	vmul.f32 @p1 v22, v11;
	v25 =	vadd.f32 @p1 $-5.000000000e-01, v17;
	v18 =	vld.idx.msk [tilespmem:v45+s20+$0x0], $0xffff  }
0x26d: {  	vm0 =	vlt.f32 @p1 v30, $1.000000000e+00;
	vm1 =	vlt.f32 @p1 v17, $1.000000000e+00;
	v16 =	vsub.f32 v42, v41  }
0x26e: {  	v20 =	vadd.f32 @p2 v23, v20;
	v10 =	vsel @p1 vm0, v10, v27;
	v11 =	vsel @p1 vm1, v11, v25  }
0x26f: {  	v10 =	vpsel p1, v10, v0;
	v11 =	vadd.f32 @p1 v11, v19;
	v51 =	vmul.f32 $5.000000000e-01, v16  }
0x270: {  	v44 =	vsub.f32 v24, v37;
	v15 =	vsub.f32 v53, v49;
	v50 =	vand.u32 $0x7FFFFFFF, v16  }
0x271: {  	v52 =	vadd.f32 $-5.000000000e-01, v50;
	v13 =	vsub.f32 v18, v48;
	v16 =	vmul.f32 v51, v16  }
0x272: {  	v11 =	vpsel p1, v11, v9;
	v55 =	vand.u32 $0x7FFFFFFF, v15;
	vm12 =	vlt.f32 v50, $1.000000000e+00  }
0x273: {  	v56 =	vmul.f32 $5.000000000e-01, v15;
	v54 =	vmul.f32 $5.000000000e-01, v13;
	v16 =	vsel vm12, v16, v52  }
0x274: {  	v57 =	vand.u32 $0x7FFFFFFF, v13;
	v14 =	vadd.f32 v16, v14;
	v16 =	vpsel p2, v20, v9  }
0x275: {  	v58 =	vadd.f32 $-5.000000000e-01, v57;
	v13 =	vmul.f32 v54, v13;
	v10 =	vadd.f32 @p1 v10, v16  }
0x276: {  	v46 =	vmul.f32 $5.000000000e-01, v44;
	v59 =	vadd.f32 $-5.000000000e-01, v55;
	vm13 =	vlt.f32 v57, $1.000000000e+00  }
0x277: {  	v15 =	vmul.f32 v56, v15;
	v13 =	vsel vm13, v13, v58;
	v60 =	vpsel p1, v10, v9  }
0x278: {  	v24 =	vand.u32 $0x7FFFFFFF, v44;
	vm14 =	vlt.f32 v55, $1.000000000e+00;
	v9 =	vadd.f32 v13, v60  }
0x279: {  	v47 =	vadd.f32 $-5.000000000e-01, v24;
	v21 =	vmul.f32 v46, v44;
	v61 =	vsel vm14, v15, v59  }
0x27a: {  	vm15 =	vlt.f32 v24, $1.000000000e+00;
	v3 =	vadd.f32 v61, v11;
	v63 =	vadd.f32 v14, v9  }
0x27b: {  	v6 =	vadd.f32 v7, v6;
	v2 =	vadd.f32 v4, v2;
	v62 =	vsel vm15, v21, v47  }
0x27c: {  	v8 =	vadd.f32 v62, v12;
	v3 =	vadd.f32 v3, v63  }
0x27d: {  	v1 =	vadd.f32 v1, v6  }
0x27e: {  	[tilespmem:$0x14D00] =	vst v2;
	v3 =	vadd.f32 v8, v3  }
0x27f: {  	s31 =	sadd.s32 $0x1, s31;
	[tilespmem:$0x14D10] =	vst v1  }
0x280: {  	s29 =	simm.s32 $0x14D00;
	p0 =	sne.s32 s31, s16;
	[tilespmem:$0x14D20] =	vst v3  }
0x281: {  	[hbm4b:s15+s2] =	stream.linear.scatter [tilespmem:s29], [sflag:$0x2], $0x30, $0x38;
	[tilespmem:$0x14D30] =	vst v63  }
.Ltmp9:
0x282: {  	_ = 	snop;
	(pc) =	sbr.rel @p0 .LBB2_1-.Ltmp9, $4  }
.Ltmp10:
0x283: {  	_ = 	snop;
	(pc) =	sbr.rel @!p0 .LBB2_20-.Ltmp10, $4  }
0x284: {  	_ =	swait.ge [sflag:s30], $0x30  }
0x285: {  	[sflag:s30] =	ssyncset.done $0x0  }
0x286: {  	[sflag:s30] =	ssyncadd.s32 $0xFFFFFFD0  }
0x287: {  	_ = 	snop  }
.LBB2_4:
.Ltmp11:
0x288: {  	(pc) =	sbr.rel .LBB2_9-.Ltmp11, $3  }
0x289: {  	_ =	sdelay $0x1  }
0x28a: {  	v18 =	vimm.f32 $0.0e+00  }
0x28b: {  	v17 =	vimm.f32 $0.0e+00;
	v14 =	vimm.f32 $0.0e+00;
	v13 =	vimm.f32 $0.0e+00;
	p1 =	por $0x0, $0x0  }
.LBB2_10:
.Ltmp12:
0x28c: {  	(pc) =	sbr.rel .LBB2_19-.Ltmp12, $3  }
0x28d: {  	_ =	sdelay $0x1  }
0x28e: {  	v17 =	vimm.f32 $0.0e+00;
	v23 =	vimm.f32 $0.0e+00;
	v18 =	vimm.f32 $0.0e+00  }
0x28f: {  	s18 =	smov.u32 s0;
	v19 =	vimm.f32 $0.0e+00;
	p1 =	por $0x0, $0x0;
	p2 =	por $0x0, $0x0;
	v12 =	vimm.f32 $0.0e+00;
	v14 =	vimm.f32 $0.0e+00  }
.LBB2_6:
.Ltmp13:
0x290: {  	(pc) =	sbr.rel .LBB2_9-.Ltmp13, $2  }
0x291: {  	_ =	sdelay $0x2  }
0x292: {  	v18 =	vimm.f32 $0.0e+00;
	v25 =	vmovc v12;
	v17 =	vimm.f32 $0.0e+00;
	v20 =	vmov v15  }
.LBB2_12:
.Ltmp14:
0x293: {  	_ = 	snop;
	(pc) =	sbr.rel .LBB2_19-.Ltmp14, $3  }
0x294: {  	_ =	sdelay $0x1  }
0x295: {  	v17 =	vimm.f32 $0.0e+00;
	v23 =	vimm.f32 $0.0e+00;
	v18 =	vimm.f32 $0.0e+00  }
0x296: {  	s18 =	smov.u32 s0;
	v19 =	vimm.f32 $0.0e+00;
	p2 =	por $0x0, $0x0;
	v12 =	vimm.f32 $0.0e+00;
	v14 =	vimm.f32 $0.0e+00;
	v16 =	vmovc v10  }
.LBB2_14:
.Ltmp15:
0x297: {  	(pc) =	sbr.rel .LBB2_19-.Ltmp15, $3  }
0x298: {  	_ =	sdelay $0x1  }
0x299: {  	v17 =	vmov v12;
	v22 =	vmov v11;
	v34 =	vmov v10  }
0x29a: {  	v23 =	vimm.f32 $0.0e+00;
	v18 =	vmovc v14;
	v19 =	vimm.f32 $0.0e+00;
	v26 =	vmovc v13;
	v28 =	vmov v15  }
.LBB2_16:
.Ltmp16:
0x29b: {  	_ = 	snop;
	(pc) =	sbr.rel .LBB2_19-.Ltmp16, $2  }
0x29c: {  	_ =	sdelay $0x2  }
0x29d: {  	v34 =	vmov v16;
	v23 =	vimm.f32 $0.0e+00;
	v16 =	vmov v35  }
.LBB2_20:
0x29e: {  	_ =	sfence.sel $0x180000  }
0x29f: {  	[bflag:$0x0] =	sbarrier.arrive $0xFFFF  }
0x2a0: {  	_ =	strace $0x90000047  }
0x2a1: {  	s0 =	stileid.u32;
	[bflag:$0x2] =	sbarrier.arrive $0xFFFF  }
0x2a2: {  	p0 =	sne.s32 s0, $0x0;
	s0 =	rddreg [dreg:$0x1]  }
0x2a3: {  	s0 =	sadd.s32 @!p0 $0x100000, s0  }
0x2a4: {  	[sflag:s0] =	ssyncadd.tile.s32 @!p0 $0x1;
	_ =	shalt  }
.Lfunc_end2:
_tile_overlayer_lowered:
.L_overlay_start_2:
0x2a5: {  	(tag) =	ssettag $0x2  }
0x2a6: {  	s0 =	rddreg [dreg:$0x0];
	s2 =	stileid.u32  }
0x2a7: {  	s1 =	rddreg [dreg:$0x1];
	p0 =	sne.s32 s2, $0x0  }
0x2a8: {  	s3 =	rddreg [dreg:$0x2];
	[bflag:$0x3] =	sbarrier.arrive $0xFFFF;
	s2 =	simm.s32 @!p0 $0x1C02  }
0x2a9: {  	[timem:s3], [sflag:s2] =	dma.local @!p0 [hbm:s0], s1  }
0x2aa: {  	s0 =	simm.s32 @!p0 $0x2  }
0x2ab: {  	_ =	swait.ge @!p0 [sflag:s0], s1  }
0x2ac: {  	s1 =	ssub.s32 @!p0 $0x0, s1;
	[sflag:s0] =	ssyncset.done @!p0 $0x0  }
0x2ad: {  	[sflag:s0] =	ssyncadd.s32 @!p0 s1  }
0x2ae: {  	[bflag:$0x3] =	sbarrier.arrive $0xFFFF  }
0x2af: {  	_ =	shalt  }

</sc_bundles>
